<compile_context>
chip_gen: v7x
topology: tpu7x:2x2x1
jax: 0.10.2.dev20260603
libtpu: 0.0.44.dev20260713+nightly
codegen_flags: <defaults>
</compile_context>

<pallas_src>
import jax
import jax.numpy as jnp
from jax import lax
from jax.experimental import pallas as pl
from jax.experimental.pallas import tpu as pltpu
from jax.experimental.pallas import tpu_sc as plsc

E = 65536
N = 4096
V = 8192
NC = 2
NS = 16
NW = NC * NS
PW = (N * V) // NW
RW = N // NW
CH = 16384
NCH = PW // CH
RPC = CH // V
DELW = E // NW
L = 16


def _sc_body(act_ref, d_ref, ad_ref, arm_ref, out_ref,
             actv, adv, scales, inb0, inb1, outb0, outb1,
             sin0, sin1, sout0, sout1):
    wid = lax.axis_index("s") * NC + lax.axis_index("c")
    arm_base = wid * PW
    out_base = E + arm_base

    pltpu.sync_copy(act_ref, actv)
    pltpu.sync_copy(ad_ref.at[pl.ds(wid * RW, RW)], adv)
    av = actv[...]
    a0v = jnp.full((L,), av[0], jnp.float32)
    a1 = av[1]

    for j in range(RW // L):
        vec = adv[pl.ds(j * L, L)] * a1
        for i in range(L):
            scales[pl.ds((j * L + i) * L, L)] = jnp.full((L,), vec[i],
                                                         jnp.float32)

    inb = (inb0, inb1)
    outb = (outb0, outb1)
    sin = (sin0, sin1)
    sout = (sout0, sout1)

    pltpu.async_copy(arm_ref.at[pl.ds(arm_base, CH)], inb0, sin0)

    pltpu.sync_copy(d_ref.at[pl.ds(wid * DELW, DELW)], inb1.at[pl.ds(0, DELW)])

    @plsc.parallel_loop(0, DELW, step=L, unroll=16)
    def _(i):
        outb1[pl.ds(i, L)] = inb1[pl.ds(i, L)] * a0v

    pltpu.sync_copy(outb1.at[pl.ds(0, DELW)],
                    out_ref.at[pl.ds(wid * DELW, DELW)])

    @pl.loop(0, NCH, step=2)
    def _(t0):
        for b in range(2):
            t = t0 + b
            nb = 1 - b

            @pl.when(t + 1 < NCH)
            def _():
                pltpu.async_copy(
                    arm_ref.at[pl.ds(arm_base + (t + 1) * CH, CH)],
                    inb[nb], sin[nb])

            pltpu.make_async_copy(
                arm_ref.at[pl.ds(arm_base, CH)], inb[b], sin[b]).wait()

            @pl.when(t >= 2)
            def _():
                pltpu.make_async_copy(
                    outb[b], out_ref.at[pl.ds(out_base, CH)], sout[b]).wait()

            for r in range(RPC):
                srow = scales[pl.ds((t * RPC + r) * L, L)]

                @plsc.parallel_loop(r * V, (r + 1) * V, step=L, unroll=16)
                def _(i):
                    outb[b][pl.ds(i, L)] = inb[b][pl.ds(i, L)] * srow

            pltpu.async_copy(
                outb[b], out_ref.at[pl.ds(out_base + t * CH, CH)], sout[b])

    pltpu.make_async_copy(outb0, out_ref.at[pl.ds(out_base, CH)], sout0).wait()
    pltpu.make_async_copy(outb1, out_ref.at[pl.ds(out_base, CH)], sout1).wait()


def kernel(act_prob, idx_del_prob, idx_add_prob, idx_arm_prob):
    act16 = jnp.pad(act_prob.reshape(-1), (0, 14))
    d = idx_del_prob.reshape(-1)
    ad = idx_add_prob.reshape(-1)
    arm = idx_arm_prob.reshape(-1)

    mesh = plsc.VectorSubcoreMesh(
        core_axis_name="c", subcore_axis_name="s",
        num_cores=NC, num_subcores=NS)
    f = pl.kernel(
        _sc_body,
        out_type=jax.ShapeDtypeStruct((E + N * V,), jnp.float32),
        mesh=mesh,
        scratch_types=[
            pltpu.VMEM((L,), jnp.float32),
            pltpu.VMEM((RW,), jnp.float32),
            pltpu.VMEM((RW * L,), jnp.float32),
            pltpu.VMEM((CH,), jnp.float32),
            pltpu.VMEM((CH,), jnp.float32),
            pltpu.VMEM((CH,), jnp.float32),
            pltpu.VMEM((CH,), jnp.float32),
            pltpu.SemaphoreType.DMA,
            pltpu.SemaphoreType.DMA,
            pltpu.SemaphoreType.DMA,
            pltpu.SemaphoreType.DMA,
        ],
    )
    return f(act16, d, ad, arm)

# --- scband reference (transcript-rebuilt; emitter-appended) ---
"""Pipeline reference for scband-actor-critic-80891414053631 (READ-ONLY COPY).

The authoritative reference and input builder live on the scoring server;
editing this copy changes nothing except your own understanding.
"""

import jax, jax.numpy as jnp
import numpy as np

E = 65536   # number of edges (del actions)
N = 4096    # number of nodes (add sites)
V = 8192    # fragment vocab size (arm choices)


def setup_inputs(seed: int = 0) -> dict:
    key = jax.random.key(seed)
    k1, k2, k3, k4 = jax.random.split(key, 4)
    act_prob = jax.random.uniform(k1, (1, 2), dtype=jnp.float32)
    act_prob = act_prob / act_prob.sum()
    idx_del_prob = jax.random.uniform(k2, (E, 1), dtype=jnp.float32)
    idx_del_prob = idx_del_prob / idx_del_prob.sum()
    idx_add_prob = jax.random.uniform(k3, (N, 1), dtype=jnp.float32)
    idx_add_prob = idx_add_prob / idx_add_prob.sum()
    idx_arm_prob = jax.random.uniform(k4, (N, V), dtype=jnp.float32)
    idx_arm_prob = idx_arm_prob / idx_arm_prob.sum(axis=-1, keepdims=True)
    return {
        "act_prob": act_prob,
        "idx_del_prob": idx_del_prob,
        "idx_add_prob": idx_add_prob,
        "idx_arm_prob": idx_arm_prob,
    }


def reference(act_prob, idx_del_prob, idx_add_prob, idx_arm_prob):
    # Faithful port of ActorCritic.conditional_distribution2global_distribution:
    # builds the flattened global categorical distribution over all
    # (del edge) and (add node, arm fragment) actions.
    del_elt = idx_del_prob.shape[0]
    add_elt = idx_add_prob.shape[0]
    arm_elt = idx_arm_prob.shape[1]
    total = del_elt + add_elt * arm_elt
    section = jnp.array([del_elt, add_elt * arm_elt], dtype=jnp.int32)

    a = jnp.squeeze(act_prob)                 # (2,)
    d = jnp.squeeze(idx_del_prob)             # (E,)
    ad = jnp.squeeze(idx_add_prob)            # (N,)
    arm = idx_arm_prob.reshape(-1)            # (N*V,)

    # torch.repeat_interleave(act_prob, section)
    a_rep = jnp.repeat(a, section, total_repeat_length=total)
    # torch.repeat_interleave(idx_add_prob, arm_elt)
    ad_rep = jnp.repeat(ad, arm_elt)          # (N*V,)
    idx_add_arm_prob = ad_rep * arm           # (N*V,) joint p(add)*p(arm|add)
    prob_action = a_rep * jnp.concatenate([d, idx_add_arm_prob])  # (E + N*V,)
    return prob_action

if __name__ == "__main__":
    import jax
    _d = setup_inputs()
    print(jax.jit(kernel)(*tuple(_d.values())))

</pallas_src>

<mosaic_0001>
#map = affine_map<(d0, d1) -> (0)>
module attributes {stable_mosaic.version = 14 : i64} {
  func.func @_sc_body(%arg0: i32, %arg1: i32, %arg2: memref<16xf32, #tpu.memory_space<hbm>>, %arg3: memref<65536xf32, #tpu.memory_space<hbm>>, %arg4: memref<4096xf32, #tpu.memory_space<hbm>>, %arg5: memref<33554432xf32, #tpu.memory_space<hbm>>, %arg6: memref<33619968xf32, #tpu.memory_space<hbm>>, %arg7: memref<16xf32, #tpu.memory_space<vmem>>, %arg8: memref<128xf32, #tpu.memory_space<vmem>>, %arg9: memref<2048xf32, #tpu.memory_space<vmem>>, %arg10: memref<16384xf32, #tpu.memory_space<vmem>>, %arg11: memref<16384xf32, #tpu.memory_space<vmem>>, %arg12: memref<16384xf32, #tpu.memory_space<vmem>>, %arg13: memref<16384xf32, #tpu.memory_space<vmem>>, %arg14: memref<!tpu.dma_semaphore, #tpu.memory_space<semaphore_mem>>, %arg15: memref<!tpu.dma_semaphore, #tpu.memory_space<semaphore_mem>>, %arg16: memref<!tpu.dma_semaphore, #tpu.memory_space<semaphore_mem>>, %arg17: memref<!tpu.dma_semaphore, #tpu.memory_space<semaphore_mem>>) attributes {dimension_semantics = [#tpu.dimension_semantics<core_parallel>, #tpu.dimension_semantics<subcore_parallel>], iteration_bounds = array<i64: 2, 16>, scalar_prefetch = 0 : i64, scratch_operands = 11 : i64, tpu.core_type = #tpu.core_type<sc_vector_subcore>, window_params = [{transform_indices = #map}, {transform_indices = #map}, {transform_indices = #map}, {transform_indices = #map}, {transform_indices = #map}]} {
    %mul3A = arith.constant 2 : i32
    %mul3A_0 = arith.muli %arg1, %mul3A : i32
    %add3A = arith.addi %mul3A_0, %arg0 : i32
    %mul3A_1 = arith.constant 1048576 : i32
    %mul3A_2 = arith.muli %add3A, %mul3A_1 : i32
    %add3A_3 = arith.constant 65536 : i32
    %add3A_4 = arith.addi %add3A_3, %mul3A_2 : i32
    "tpu.region"() ({
      %run_scoped3A = tpu.sem_alloc : memref<!tpu.dma_semaphore, #tpu.memory_space<semaphore_mem>>
      tpu.enqueue_dma source(%arg2 : memref<16xf32, #tpu.memory_space<hbm>>) target(%arg7 : memref<16xf32, #tpu.memory_space<vmem>>) target_semaphore(%run_scoped3A : memref<!tpu.dma_semaphore, #tpu.memory_space<semaphore_mem>>)
      tpu.wait_dma2 semaphore(%run_scoped3A : memref<!tpu.dma_semaphore, #tpu.memory_space<semaphore_mem>>) src(%arg2 : memref<16xf32, #tpu.memory_space<hbm>>) dst(%arg7 : memref<16xf32, #tpu.memory_space<vmem>>)
      tpu.yield
    }) : () -> ()
    %mul3A_5 = arith.constant 128 : i32
    %mul3A_6 = arith.muli %add3A, %mul3A_5 : i32
    "tpu.region"() ({
      %run_scoped3A = tpu.sem_alloc : memref<!tpu.dma_semaphore, #tpu.memory_space<semaphore_mem>>
      %dma_start3A_960 = tpu.memref_slice %arg4[%mul3A_6] : memref<4096xf32, #tpu.memory_space<hbm>> -> memref<128xf32, #tpu.memory_space<hbm>>
      %dma_start3A_961 = tpu.memref_slice %arg4[%mul3A_6] : memref<4096xf32, #tpu.memory_space<hbm>> -> memref<128xf32, #tpu.memory_space<hbm>>
      tpu.enqueue_dma source(%dma_start3A_961 : memref<128xf32, #tpu.memory_space<hbm>>) target(%arg8 : memref<128xf32, #tpu.memory_space<vmem>>) target_semaphore(%run_scoped3A : memref<!tpu.dma_semaphore, #tpu.memory_space<semaphore_mem>>)
      %dma_wait3A_962 = tpu.memref_slice %arg4[%mul3A_6] : memref<4096xf32, #tpu.memory_space<hbm>> -> memref<128xf32, #tpu.memory_space<hbm>>
      %dma_wait3A_963 = tpu.memref_slice %arg4[%mul3A_6] : memref<4096xf32, #tpu.memory_space<hbm>> -> memref<128xf32, #tpu.memory_space<hbm>>
      tpu.wait_dma2 semaphore(%run_scoped3A : memref<!tpu.dma_semaphore, #tpu.memory_space<semaphore_mem>>) src(%dma_wait3A_963 : memref<128xf32, #tpu.memory_space<hbm>>) dst(%arg8 : memref<128xf32, #tpu.memory_space<vmem>>)
      tpu.yield
    }) : () -> ()
    %get3A = arith.constant 0 : index
    %get3A_7 = tpu.vector_load %arg7[%get3A] {strides = array<i32>} : memref<16xf32, #tpu.memory_space<vmem>>, vector<16xf32>,
    %get3A_8 = vector.shape_cast %get3A_7 : vector<16xf32> to vector<16xf32>
    %slice3A = vector.extract_strided_slice %get3A_8 {offsets = [0], sizes = [1], strides = [1]} : vector<16xf32> to vector<1xf32>
    %squeeze3A = vector.extract %slice3A[0] : f32 from vector<1xf32>
    %broadcast_in_dim3A = vector.broadcast %squeeze3A : f32 to vector<16xf32>
    %slice3A_9 = vector.extract_strided_slice %get3A_8 {offsets = [1], sizes = [1], strides = [1]} : vector<16xf32> to vector<1xf32>
    %squeeze3A_10 = vector.extract %slice3A_9[0] : f32 from vector<1xf32>
    %get3A_11 = arith.constant 0 : index
    %get3A_12 = tpu.vector_load %arg8[%get3A_11] {strides = array<i32>} : memref<128xf32, #tpu.memory_space<vmem>>, vector<16xf32>,
    %get3A_13 = vector.shape_cast %get3A_12 : vector<16xf32> to vector<16xf32>
    %mul3A_14 = vector.broadcast %squeeze3A_10 : f32 to vector<16xf32>
    %mul3A_15 = arith.mulf %get3A_13, %mul3A_14 : vector<16xf32>
    %slice3A_16 = vector.extract_strided_slice %mul3A_15 {offsets = [0], sizes = [1], strides = [1]} : vector<16xf32> to vector<1xf32>
    %squeeze3A_17 = vector.extract %slice3A_16[0] : f32 from vector<1xf32>
    %broadcast_in_dim3A_18 = vector.broadcast %squeeze3A_17 : f32 to vector<16xf32>
    %swap3A = arith.constant 0 : index
    %swap3A_19 = tpu.vector_load %arg9[%swap3A] {strides = array<i32>} : memref<2048xf32, #tpu.memory_space<vmem>>, vector<16xf32>,
    %swap3A_20 = vector.shape_cast %swap3A_19 : vector<16xf32> to vector<16xf32>
    %swap3A_21 = vector.shape_cast %broadcast_in_dim3A_18 : vector<16xf32> to vector<16xf32>
    tpu.vector_store %arg9[%swap3A], %swap3A_21 {strides = array<i32>} : memref<2048xf32, #tpu.memory_space<vmem>>, vector<16xf32>,
    %slice3A_22 = vector.extract_strided_slice %mul3A_15 {offsets = [1], sizes = [1], strides = [1]} : vector<16xf32> to vector<1xf32>
    %squeeze3A_23 = vector.extract %slice3A_22[0] : f32 from vector<1xf32>
    %broadcast_in_dim3A_24 = vector.broadcast %squeeze3A_23 : f32 to vector<16xf32>
    %swap3A_25 = arith.constant 16 : index
    %swap3A_26 = tpu.vector_load %arg9[%swap3A_25] {strides = array<i32>} : memref<2048xf32, #tpu.memory_space<vmem>>, vector<16xf32>,
    %swap3A_27 = vector.shape_cast %swap3A_26 : vector<16xf32> to vector<16xf32>
    %swap3A_28 = vector.shape_cast %broadcast_in_dim3A_24 : vector<16xf32> to vector<16xf32>
    tpu.vector_store %arg9[%swap3A_25], %swap3A_28 {strides = array<i32>} : memref<2048xf32, #tpu.memory_space<vmem>>, vector<16xf32>,
    %slice3A_29 = vector.extract_strided_slice %mul3A_15 {offsets = [2], sizes = [1], strides = [1]} : vector<16xf32> to vector<1xf32>
    %squeeze3A_30 = vector.extract %slice3A_29[0] : f32 from vector<1xf32>
    %broadcast_in_dim3A_31 = vector.broadcast %squeeze3A_30 : f32 to vector<16xf32>
    %swap3A_32 = arith.constant 32 : index
    %swap3A_33 = tpu.vector_load %arg9[%swap3A_32] {strides = array<i32>} : memref<2048xf32, #tpu.memory_space<vmem>>, vector<16xf32>,
    %swap3A_34 = vector.shape_cast %swap3A_33 : vector<16xf32> to vector<16xf32>
    %swap3A_35 = vector.shape_cast %broadcast_in_dim3A_31 : vector<16xf32> to vector<16xf32>
    tpu.vector_store %arg9[%swap3A_32], %swap3A_35 {strides = array<i32>} : memref<2048xf32, #tpu.memory_space<vmem>>, vector<16xf32>,
    %slice3A_36 = vector.extract_strided_slice %mul3A_15 {offsets = [3], sizes = [1], strides = [1]} : vector<16xf32> to vector<1xf32>
    %squeeze3A_37 = vector.extract %slice3A_36[0] : f32 from vector<1xf32>
    %broadcast_in_dim3A_38 = vector.broadcast %squeeze3A_37 : f32 to vector<16xf32>
    %swap3A_39 = arith.constant 48 : index
    %swap3A_40 = tpu.vector_load %arg9[%swap3A_39] {strides = array<i32>} : memref<2048xf32, #tpu.memory_space<vmem>>, vector<16xf32>,
    %swap3A_41 = vector.shape_cast %swap3A_40 : vector<16xf32> to vector<16xf32>
    %swap3A_42 = vector.shape_cast %broadcast_in_dim3A_38 : vector<16xf32> to vector<16xf32>
    tpu.vector_store %arg9[%swap3A_39], %swap3A_42 {strides = array<i32>} : memref<2048xf32, #tpu.memory_space<vmem>>, vector<16xf32>,
    %slice3A_43 = vector.extract_strided_slice %mul3A_15 {offsets = [4], sizes = [1], strides = [1]} : vector<16xf32> to vector<1xf32>
    %squeeze3A_44 = vector.extract %slice3A_43[0] : f32 from vector<1xf32>
    %broadcast_in_dim3A_45 = vector.broadcast %squeeze3A_44 : f32 to vector<16xf32>
    %swap3A_46 = arith.constant 64 : index
    %swap3A_47 = tpu.vector_load %arg9[%swap3A_46] {strides = array<i32>} : memref<2048xf32, #tpu.memory_space<vmem>>, vector<16xf32>,
    %swap3A_48 = vector.shape_cast %swap3A_47 : vector<16xf32> to vector<16xf32>
    %swap3A_49 = vector.shape_cast %broadcast_in_dim3A_45 : vector<16xf32> to vector<16xf32>
    tpu.vector_store %arg9[%swap3A_46], %swap3A_49 {strides = array<i32>} : memref<2048xf32, #tpu.memory_space<vmem>>, vector<16xf32>,
    %slice3A_50 = vector.extract_strided_slice %mul3A_15 {offsets = [5], sizes = [1], strides = [1]} : vector<16xf32> to vector<1xf32>
    %squeeze3A_51 = vector.extract %slice3A_50[0] : f32 from vector<1xf32>
    %broadcast_in_dim3A_52 = vector.broadcast %squeeze3A_51 : f32 to vector<16xf32>
    %swap3A_53 = arith.constant 80 : index
    %swap3A_54 = tpu.vector_load %arg9[%swap3A_53] {strides = array<i32>} : memref<2048xf32, #tpu.memory_space<vmem>>, vector<16xf32>,
    %swap3A_55 = vector.shape_cast %swap3A_54 : vector<16xf32> to vector<16xf32>
    %swap3A_56 = vector.shape_cast %broadcast_in_dim3A_52 : vector<16xf32> to vector<16xf32>
    tpu.vector_store %arg9[%swap3A_53], %swap3A_56 {strides = array<i32>} : memref<2048xf32, #tpu.memory_space<vmem>>, vector<16xf32>,
    %slice3A_57 = vector.extract_strided_slice %mul3A_15 {offsets = [6], sizes = [1], strides = [1]} : vector<16xf32> to vector<1xf32>
    %squeeze3A_58 = vector.extract %slice3A_57[0] : f32 from vector<1xf32>
    %broadcast_in_dim3A_59 = vector.broadcast %squeeze3A_58 : f32 to vector<16xf32>
    %swap3A_60 = arith.constant 96 : index
    %swap3A_61 = tpu.vector_load %arg9[%swap3A_60] {strides = array<i32>} : memref<2048xf32, #tpu.memory_space<vmem>>, vector<16xf32>,
    %swap3A_62 = vector.shape_cast %swap3A_61 : vector<16xf32> to vector<16xf32>
    %swap3A_63 = vector.shape_cast %broadcast_in_dim3A_59 : vector<16xf32> to vector<16xf32>
    tpu.vector_store %arg9[%swap3A_60], %swap3A_63 {strides = array<i32>} : memref<2048xf32, #tpu.memory_space<vmem>>, vector<16xf32>,
    %slice3A_64 = vector.extract_strided_slice %mul3A_15 {offsets = [7], sizes = [1], strides = [1]} : vector<16xf32> to vector<1xf32>
    %squeeze3A_65 = vector.extract %slice3A_64[0] : f32 from vector<1xf32>
    %broadcast_in_dim3A_66 = vector.broadcast %squeeze3A_65 : f32 to vector<16xf32>
    %swap3A_67 = arith.constant 112 : index
    %swap3A_68 = tpu.vector_load %arg9[%swap3A_67] {strides = array<i32>} : memref<2048xf32, #tpu.memory_space<vmem>>, vector<16xf32>,
    %swap3A_69 = vector.shape_cast %swap3A_68 : vector<16xf32> to vector<16xf32>
    %swap3A_70 = vector.shape_cast %broadcast_in_dim3A_66 : vector<16xf32> to vector<16xf32>
    tpu.vector_store %arg9[%swap3A_67], %swap3A_70 {strides = array<i32>} : memref<2048xf32, #tpu.memory_space<vmem>>, vector<16xf32>,
    %slice3A_71 = vector.extract_strided_slice %mul3A_15 {offsets = [8], sizes = [1], strides = [1]} : vector<16xf32> to vector<1xf32>
    %squeeze3A_72 = vector.extract %slice3A_71[0] : f32 from vector<1xf32>
    %broadcast_in_dim3A_73 = vector.broadcast %squeeze3A_72 : f32 to vector<16xf32>
    %swap3A_74 = arith.constant 128 : index
    %swap3A_75 = tpu.vector_load %arg9[%swap3A_74] {strides = array<i32>} : memref<2048xf32, #tpu.memory_space<vmem>>, vector<16xf32>,
    %swap3A_76 = vector.shape_cast %swap3A_75 : vector<16xf32> to vector<16xf32>
    %swap3A_77 = vector.shape_cast %broadcast_in_dim3A_73 : vector<16xf32> to vector<16xf32>
    tpu.vector_store %arg9[%swap3A_74], %swap3A_77 {strides = array<i32>} : memref<2048xf32, #tpu.memory_space<vmem>>, vector<16xf32>,
    %slice3A_78 = vector.extract_strided_slice %mul3A_15 {offsets = [9], sizes = [1], strides = [1]} : vector<16xf32> to vector<1xf32>
    %squeeze3A_79 = vector.extract %slice3A_78[0] : f32 from vector<1xf32>
    %broadcast_in_dim3A_80 = vector.broadcast %squeeze3A_79 : f32 to vector<16xf32>
    %swap3A_81 = arith.constant 144 : index
    %swap3A_82 = tpu.vector_load %arg9[%swap3A_81] {strides = array<i32>} : memref<2048xf32, #tpu.memory_space<vmem>>, vector<16xf32>,
    %swap3A_83 = vector.shape_cast %swap3A_82 : vector<16xf32> to vector<16xf32>
    %swap3A_84 = vector.shape_cast %broadcast_in_dim3A_80 : vector<16xf32> to vector<16xf32>
    tpu.vector_store %arg9[%swap3A_81], %swap3A_84 {strides = array<i32>} : memref<2048xf32, #tpu.memory_space<vmem>>, vector<16xf32>,
    %slice3A_85 = vector.extract_strided_slice %mul3A_15 {offsets = [10], sizes = [1], strides = [1]} : vector<16xf32> to vector<1xf32>
    %squeeze3A_86 = vector.extract %slice3A_85[0] : f32 from vector<1xf32>
    %broadcast_in_dim3A_87 = vector.broadcast %squeeze3A_86 : f32 to vector<16xf32>
    %swap3A_88 = arith.constant 160 : index
    %swap3A_89 = tpu.vector_load %arg9[%swap3A_88] {strides = array<i32>} : memref<2048xf32, #tpu.memory_space<vmem>>, vector<16xf32>,
    %swap3A_90 = vector.shape_cast %swap3A_89 : vector<16xf32> to vector<16xf32>
    %swap3A_91 = vector.shape_cast %broadcast_in_dim3A_87 : vector<16xf32> to vector<16xf32>
    tpu.vector_store %arg9[%swap3A_88], %swap3A_91 {strides = array<i32>} : memref<2048xf32, #tpu.memory_space<vmem>>, vector<16xf32>,
    %slice3A_92 = vector.extract_strided_slice %mul3A_15 {offsets = [11], sizes = [1], strides = [1]} : vector<16xf32> to vector<1xf32>
    %squeeze3A_93 = vector.extract %slice3A_92[0] : f32 from vector<1xf32>
    %broadcast_in_dim3A_94 = vector.broadcast %squeeze3A_93 : f32 to vector<16xf32>
    %swap3A_95 = arith.constant 176 : index
    %swap3A_96 = tpu.vector_load %arg9[%swap3A_95] {strides = array<i32>} : memref<2048xf32, #tpu.memory_space<vmem>>, vector<16xf32>,
    %swap3A_97 = vector.shape_cast %swap3A_96 : vector<16xf32> to vector<16xf32>
    %swap3A_98 = vector.shape_cast %broadcast_in_dim3A_94 : vector<16xf32> to vector<16xf32>
    tpu.vector_store %arg9[%swap3A_95], %swap3A_98 {strides = array<i32>} : memref<2048xf32, #tpu.memory_space<vmem>>, vector<16xf32>,
    %slice3A_99 = vector.extract_strided_slice %mul3A_15 {offsets = [12], sizes = [1], strides = [1]} : vector<16xf32> to vector<1xf32>
    %squeeze3A_100 = vector.extract %slice3A_99[0] : f32 from vector<1xf32>
    %broadcast_in_dim3A_101 = vector.broadcast %squeeze3A_100 : f32 to vector<16xf32>
    %swap3A_102 = arith.constant 192 : index
    %swap3A_103 = tpu.vector_load %arg9[%swap3A_102] {strides = array<i32>} : memref<2048xf32, #tpu.memory_space<vmem>>, vector<16xf32>,
    %swap3A_104 = vector.shape_cast %swap3A_103 : vector<16xf32> to vector<16xf32>
    %swap3A_105 = vector.shape_cast %broadcast_in_dim3A_101 : vector<16xf32> to vector<16xf32>
    tpu.vector_store %arg9[%swap3A_102], %swap3A_105 {strides = array<i32>} : memref<2048xf32, #tpu.memory_space<vmem>>, vector<16xf32>,
    %slice3A_106 = vector.extract_strided_slice %mul3A_15 {offsets = [13], sizes = [1], strides = [1]} : vector<16xf32> to vector<1xf32>
    %squeeze3A_107 = vector.extract %slice3A_106[0] : f32 from vector<1xf32>
    %broadcast_in_dim3A_108 = vector.broadcast %squeeze3A_107 : f32 to vector<16xf32>
    %swap3A_109 = arith.constant 208 : index
    %swap3A_110 = tpu.vector_load %arg9[%swap3A_109] {strides = array<i32>} : memref<2048xf32, #tpu.memory_space<vmem>>, vector<16xf32>,
    %swap3A_111 = vector.shape_cast %swap3A_110 : vector<16xf32> to vector<16xf32>
    %swap3A_112 = vector.shape_cast %broadcast_in_dim3A_108 : vector<16xf32> to vector<16xf32>
    tpu.vector_store %arg9[%swap3A_109], %swap3A_112 {strides = array<i32>} : memref<2048xf32, #tpu.memory_space<vmem>>, vector<16xf32>,
    %slice3A_113 = vector.extract_strided_slice %mul3A_15 {offsets = [14], sizes = [1], strides = [1]} : vector<16xf32> to vector<1xf32>
    %squeeze3A_114 = vector.extract %slice3A_113[0] : f32 from vector<1xf32>
    %broadcast_in_dim3A_115 = vector.broadcast %squeeze3A_114 : f32 to vector<16xf32>
    %swap3A_116 = arith.constant 224 : index
    %swap3A_117 = tpu.vector_load %arg9[%swap3A_116] {strides = array<i32>} : memref<2048xf32, #tpu.memory_space<vmem>>, vector<16xf32>,
    %swap3A_118 = vector.shape_cast %swap3A_117 : vector<16xf32> to vector<16xf32>
    %swap3A_119 = vector.shape_cast %broadcast_in_dim3A_115 : vector<16xf32> to vector<16xf32>
    tpu.vector_store %arg9[%swap3A_116], %swap3A_119 {strides = array<i32>} : memref<2048xf32, #tpu.memory_space<vmem>>, vector<16xf32>,
    %slice3A_120 = vector.extract_strided_slice %mul3A_15 {offsets = [15], sizes = [1], strides = [1]} : vector<16xf32> to vector<1xf32>
    %squeeze3A_121 = vector.extract %slice3A_120[0] : f32 from vector<1xf32>
    %broadcast_in_dim3A_122 = vector.broadcast %squeeze3A_121 : f32 to vector<16xf32>
    %swap3A_123 = arith.constant 240 : index
    %swap3A_124 = tpu.vector_load %arg9[%swap3A_123] {strides = array<i32>} : memref<2048xf32, #tpu.memory_space<vmem>>, vector<16xf32>,
    %swap3A_125 = vector.shape_cast %swap3A_124 : vector<16xf32> to vector<16xf32>
    %swap3A_126 = vector.shape_cast %broadcast_in_dim3A_122 : vector<16xf32> to vector<16xf32>
    tpu.vector_store %arg9[%swap3A_123], %swap3A_126 {strides = array<i32>} : memref<2048xf32, #tpu.memory_space<vmem>>, vector<16xf32>,
    %get3A_127 = arith.constant 16 : index
    %get3A_128 = tpu.vector_load %arg8[%get3A_127] {strides = array<i32>} : memref<128xf32, #tpu.memory_space<vmem>>, vector<16xf32>,
    %get3A_129 = vector.shape_cast %get3A_128 : vector<16xf32> to vector<16xf32>
    %mul3A_130 = vector.broadcast %squeeze3A_10 : f32 to vector<16xf32>
    %mul3A_131 = arith.mulf %get3A_129, %mul3A_130 : vector<16xf32>
    %slice3A_132 = vector.extract_strided_slice %mul3A_131 {offsets = [0], sizes = [1], strides = [1]} : vector<16xf32> to vector<1xf32>
    %squeeze3A_133 = vector.extract %slice3A_132[0] : f32 from vector<1xf32>
    %broadcast_in_dim3A_134 = vector.broadcast %squeeze3A_133 : f32 to vector<16xf32>
    %swap3A_135 = arith.constant 256 : index
    %swap3A_136 = tpu.vector_load %arg9[%swap3A_135] {strides = array<i32>} : memref<2048xf32, #tpu.memory_space<vmem>>, vector<16xf32>,
    %swap3A_137 = vector.shape_cast %swap3A_136 : vector<16xf32> to vector<16xf32>
    %swap3A_138 = vector.shape_cast %broadcast_in_dim3A_134 : vector<16xf32> to vector<16xf32>
    tpu.vector_store %arg9[%swap3A_135], %swap3A_138 {strides = array<i32>} : memref<2048xf32, #tpu.memory_space<vmem>>, vector<16xf32>,
    %slice3A_139 = vector.extract_strided_slice %mul3A_131 {offsets = [1], sizes = [1], strides = [1]} : vector<16xf32> to vector<1xf32>
    %squeeze3A_140 = vector.extract %slice3A_139[0] : f32 from vector<1xf32>
    %broadcast_in_dim3A_141 = vector.broadcast %squeeze3A_140 : f32 to vector<16xf32>
    %swap3A_142 = arith.constant 272 : index
    %swap3A_143 = tpu.vector_load %arg9[%swap3A_142] {strides = array<i32>} : memref<2048xf32, #tpu.memory_space<vmem>>, vector<16xf32>,
    %swap3A_144 = vector.shape_cast %swap3A_143 : vector<16xf32> to vector<16xf32>
    %swap3A_145 = vector.shape_cast %broadcast_in_dim3A_141 : vector<16xf32> to vector<16xf32>
    tpu.vector_store %arg9[%swap3A_142], %swap3A_145 {strides = array<i32>} : memref<2048xf32, #tpu.memory_space<vmem>>, vector<16xf32>,
    %slice3A_146 = vector.extract_strided_slice %mul3A_131 {offsets = [2], sizes = [1], strides = [1]} : vector<16xf32> to vector<1xf32>
    %squeeze3A_147 = vector.extract %slice3A_146[0] : f32 from vector<1xf32>
    %broadcast_in_dim3A_148 = vector.broadcast %squeeze3A_147 : f32 to vector<16xf32>
    %swap3A_149 = arith.constant 288 : index
    %swap3A_150 = tpu.vector_load %arg9[%swap3A_149] {strides = array<i32>} : memref<2048xf32, #tpu.memory_space<vmem>>, vector<16xf32>,
    %swap3A_151 = vector.shape_cast %swap3A_150 : vector<16xf32> to vector<16xf32>
    %swap3A_152 = vector.shape_cast %broadcast_in_dim3A_148 : vector<16xf32> to vector<16xf32>
    tpu.vector_store %arg9[%swap3A_149], %swap3A_152 {strides = array<i32>} : memref<2048xf32, #tpu.memory_space<vmem>>, vector<16xf32>,
    %slice3A_153 = vector.extract_strided_slice %mul3A_131 {offsets = [3], sizes = [1], strides = [1]} : vector<16xf32> to vector<1xf32>
    %squeeze3A_154 = vector.extract %slice3A_153[0] : f32 from vector<1xf32>
    %broadcast_in_dim3A_155 = vector.broadcast %squeeze3A_154 : f32 to vector<16xf32>
    %swap3A_156 = arith.constant 304 : index
    %swap3A_157 = tpu.vector_load %arg9[%swap3A_156] {strides = array<i32>} : memref<2048xf32, #tpu.memory_space<vmem>>, vector<16xf32>,
    %swap3A_158 = vector.shape_cast %swap3A_157 : vector<16xf32> to vector<16xf32>
    %swap3A_159 = vector.shape_cast %broadcast_in_dim3A_155 : vector<16xf32> to vector<16xf32>
    tpu.vector_store %arg9[%swap3A_156], %swap3A_159 {strides = array<i32>} : memref<2048xf32, #tpu.memory_space<vmem>>, vector<16xf32>,
    %slice3A_160 = vector.extract_strided_slice %mul3A_131 {offsets = [4], sizes = [1], strides = [1]} : vector<16xf32> to vector<1xf32>
    %squeeze3A_161 = vector.extract %slice3A_160[0] : f32 from vector<1xf32>
    %broadcast_in_dim3A_162 = vector.broadcast %squeeze3A_161 : f32 to vector<16xf32>
    %swap3A_163 = arith.constant 320 : index
    %swap3A_164 = tpu.vector_load %arg9[%swap3A_163] {strides = array<i32>} : memref<2048xf32, #tpu.memory_space<vmem>>, vector<16xf32>,
    %swap3A_165 = vector.shape_cast %swap3A_164 : vector<16xf32> to vector<16xf32>
    %swap3A_166 = vector.shape_cast %broadcast_in_dim3A_162 : vector<16xf32> to vector<16xf32>
    tpu.vector_store %arg9[%swap3A_163], %swap3A_166 {strides = array<i32>} : memref<2048xf32, #tpu.memory_space<vmem>>, vector<16xf32>,
    %slice3A_167 = vector.extract_strided_slice %mul3A_131 {offsets = [5], sizes = [1], strides = [1]} : vector<16xf32> to vector<1xf32>
    %squeeze3A_168 = vector.extract %slice3A_167[0] : f32 from vector<1xf32>
    %broadcast_in_dim3A_169 = vector.broadcast %squeeze3A_168 : f32 to vector<16xf32>
    %swap3A_170 = arith.constant 336 : index
    %swap3A_171 = tpu.vector_load %arg9[%swap3A_170] {strides = array<i32>} : memref<2048xf32, #tpu.memory_space<vmem>>, vector<16xf32>,
    %swap3A_172 = vector.shape_cast %swap3A_171 : vector<16xf32> to vector<16xf32>
    %swap3A_173 = vector.shape_cast %broadcast_in_dim3A_169 : vector<16xf32> to vector<16xf32>
    tpu.vector_store %arg9[%swap3A_170], %swap3A_173 {strides = array<i32>} : memref<2048xf32, #tpu.memory_space<vmem>>, vector<16xf32>,
    %slice3A_174 = vector.extract_strided_slice %mul3A_131 {offsets = [6], sizes = [1], strides = [1]} : vector<16xf32> to vector<1xf32>
    %squeeze3A_175 = vector.extract %slice3A_174[0] : f32 from vector<1xf32>
    %broadcast_in_dim3A_176 = vector.broadcast %squeeze3A_175 : f32 to vector<16xf32>
    %swap3A_177 = arith.constant 352 : index
    %swap3A_178 = tpu.vector_load %arg9[%swap3A_177] {strides = array<i32>} : memref<2048xf32, #tpu.memory_space<vmem>>, vector<16xf32>,
    %swap3A_179 = vector.shape_cast %swap3A_178 : vector<16xf32> to vector<16xf32>
    %swap3A_180 = vector.shape_cast %broadcast_in_dim3A_176 : vector<16xf32> to vector<16xf32>
    tpu.vector_store %arg9[%swap3A_177], %swap3A_180 {strides = array<i32>} : memref<2048xf32, #tpu.memory_space<vmem>>, vector<16xf32>,
    %slice3A_181 = vector.extract_strided_slice %mul3A_131 {offsets = [7], sizes = [1], strides = [1]} : vector<16xf32> to vector<1xf32>
    %squeeze3A_182 = vector.extract %slice3A_181[0] : f32 from vector<1xf32>
    %broadcast_in_dim3A_183 = vector.broadcast %squeeze3A_182 : f32 to vector<16xf32>
    %swap3A_184 = arith.constant 368 : index
    %swap3A_185 = tpu.vector_load %arg9[%swap3A_184] {strides = array<i32>} : memref<2048xf32, #tpu.memory_space<vmem>>, vector<16xf32>,
    %swap3A_186 = vector.shape_cast %swap3A_185 : vector<16xf32> to vector<16xf32>
    %swap3A_187 = vector.shape_cast %broadcast_in_dim3A_183 : vector<16xf32> to vector<16xf32>
    tpu.vector_store %arg9[%swap3A_184], %swap3A_187 {strides = array<i32>} : memref<2048xf32, #tpu.memory_space<vmem>>, vector<16xf32>,
    %slice3A_188 = vector.extract_strided_slice %mul3A_131 {offsets = [8], sizes = [1], strides = [1]} : vector<16xf32> to vector<1xf32>
    %squeeze3A_189 = vector.extract %slice3A_188[0] : f32 from vector<1xf32>
    %broadcast_in_dim3A_190 = vector.broadcast %squeeze3A_189 : f32 to vector<16xf32>
    %swap3A_191 = arith.constant 384 : index
    %swap3A_192 = tpu.vector_load %arg9[%swap3A_191] {strides = array<i32>} : memref<2048xf32, #tpu.memory_space<vmem>>, vector<16xf32>,
    %swap3A_193 = vector.shape_cast %swap3A_192 : vector<16xf32> to vector<16xf32>
    %swap3A_194 = vector.shape_cast %broadcast_in_dim3A_190 : vector<16xf32> to vector<16xf32>
    tpu.vector_store %arg9[%swap3A_191], %swap3A_194 {strides = array<i32>} : memref<2048xf32, #tpu.memory_space<vmem>>, vector<16xf32>,
    %slice3A_195 = vector.extract_strided_slice %mul3A_131 {offsets = [9], sizes = [1], strides = [1]} : vector<16xf32> to vector<1xf32>
    %squeeze3A_196 = vector.extract %slice3A_195[0] : f32 from vector<1xf32>
    %broadcast_in_dim3A_197 = vector.broadcast %squeeze3A_196 : f32 to vector<16xf32>
    %swap3A_198 = arith.constant 400 : index
    %swap3A_199 = tpu.vector_load %arg9[%swap3A_198] {strides = array<i32>} : memref<2048xf32, #tpu.memory_space<vmem>>, vector<16xf32>,
    %swap3A_200 = vector.shape_cast %swap3A_199 : vector<16xf32> to vector<16xf32>
    %swap3A_201 = vector.shape_cast %broadcast_in_dim3A_197 : vector<16xf32> to vector<16xf32>
    tpu.vector_store %arg9[%swap3A_198], %swap3A_201 {strides = array<i32>} : memref<2048xf32, #tpu.memory_space<vmem>>, vector<16xf32>,
    %slice3A_202 = vector.extract_strided_slice %mul3A_131 {offsets = [10], sizes = [1], strides = [1]} : vector<16xf32> to vector<1xf32>
    %squeeze3A_203 = vector.extract %slice3A_202[0] : f32 from vector<1xf32>
    %broadcast_in_dim3A_204 = vector.broadcast %squeeze3A_203 : f32 to vector<16xf32>
    %swap3A_205 = arith.constant 416 : index
    %swap3A_206 = tpu.vector_load %arg9[%swap3A_205] {strides = array<i32>} : memref<2048xf32, #tpu.memory_space<vmem>>, vector<16xf32>,
    %swap3A_207 = vector.shape_cast %swap3A_206 : vector<16xf32> to vector<16xf32>
    %swap3A_208 = vector.shape_cast %broadcast_in_dim3A_204 : vector<16xf32> to vector<16xf32>
    tpu.vector_store %arg9[%swap3A_205], %swap3A_208 {strides = array<i32>} : memref<2048xf32, #tpu.memory_space<vmem>>, vector<16xf32>,
    %slice3A_209 = vector.extract_strided_slice %mul3A_131 {offsets = [11], sizes = [1], strides = [1]} : vector<16xf32> to vector<1xf32>
    %squeeze3A_210 = vector.extract %slice3A_209[0] : f32 from vector<1xf32>
    %broadcast_in_dim3A_211 = vector.broadcast %squeeze3A_210 : f32 to vector<16xf32>
    %swap3A_212 = arith.constant 432 : index
    %swap3A_213 = tpu.vector_load %arg9[%swap3A_212] {strides = array<i32>} : memref<2048xf32, #tpu.memory_space<vmem>>, vector<16xf32>,
    %swap3A_214 = vector.shape_cast %swap3A_213 : vector<16xf32> to vector<16xf32>
    %swap3A_215 = vector.shape_cast %broadcast_in_dim3A_211 : vector<16xf32> to vector<16xf32>
    tpu.vector_store %arg9[%swap3A_212], %swap3A_215 {strides = array<i32>} : memref<2048xf32, #tpu.memory_space<vmem>>, vector<16xf32>,
    %slice3A_216 = vector.extract_strided_slice %mul3A_131 {offsets = [12], sizes = [1], strides = [1]} : vector<16xf32> to vector<1xf32>
    %squeeze3A_217 = vector.extract %slice3A_216[0] : f32 from vector<1xf32>
    %broadcast_in_dim3A_218 = vector.broadcast %squeeze3A_217 : f32 to vector<16xf32>
    %swap3A_219 = arith.constant 448 : index
    %swap3A_220 = tpu.vector_load %arg9[%swap3A_219] {strides = array<i32>} : memref<2048xf32, #tpu.memory_space<vmem>>, vector<16xf32>,
    %swap3A_221 = vector.shape_cast %swap3A_220 : vector<16xf32> to vector<16xf32>
    %swap3A_222 = vector.shape_cast %broadcast_in_dim3A_218 : vector<16xf32> to vector<16xf32>
    tpu.vector_store %arg9[%swap3A_219], %swap3A_222 {strides = array<i32>} : memref<2048xf32, #tpu.memory_space<vmem>>, vector<16xf32>,
    %slice3A_223 = vector.extract_strided_slice %mul3A_131 {offsets = [13], sizes = [1], strides = [1]} : vector<16xf32> to vector<1xf32>
    %squeeze3A_224 = vector.extract %slice3A_223[0] : f32 from vector<1xf32>
    %broadcast_in_dim3A_225 = vector.broadcast %squeeze3A_224 : f32 to vector<16xf32>
    %swap3A_226 = arith.constant 464 : index
    %swap3A_227 = tpu.vector_load %arg9[%swap3A_226] {strides = array<i32>} : memref<2048xf32, #tpu.memory_space<vmem>>, vector<16xf32>,
    %swap3A_228 = vector.shape_cast %swap3A_227 : vector<16xf32> to vector<16xf32>
    %swap3A_229 = vector.shape_cast %broadcast_in_dim3A_225 : vector<16xf32> to vector<16xf32>
    tpu.vector_store %arg9[%swap3A_226], %swap3A_229 {strides = array<i32>} : memref<2048xf32, #tpu.memory_space<vmem>>, vector<16xf32>,
    %slice3A_230 = vector.extract_strided_slice %mul3A_131 {offsets = [14], sizes = [1], strides = [1]} : vector<16xf32> to vector<1xf32>
    %squeeze3A_231 = vector.extract %slice3A_230[0] : f32 from vector<1xf32>
    %broadcast_in_dim3A_232 = vector.broadcast %squeeze3A_231 : f32 to vector<16xf32>
    %swap3A_233 = arith.constant 480 : index
    %swap3A_234 = tpu.vector_load %arg9[%swap3A_233] {strides = array<i32>} : memref<2048xf32, #tpu.memory_space<vmem>>, vector<16xf32>,
    %swap3A_235 = vector.shape_cast %swap3A_234 : vector<16xf32> to vector<16xf32>
    %swap3A_236 = vector.shape_cast %broadcast_in_dim3A_232 : vector<16xf32> to vector<16xf32>
    tpu.vector_store %arg9[%swap3A_233], %swap3A_236 {strides = array<i32>} : memref<2048xf32, #tpu.memory_space<vmem>>, vector<16xf32>,
    %slice3A_237 = vector.extract_strided_slice %mul3A_131 {offsets = [15], sizes = [1], strides = [1]} : vector<16xf32> to vector<1xf32>
    %squeeze3A_238 = vector.extract %slice3A_237[0] : f32 from vector<1xf32>
    %broadcast_in_dim3A_239 = vector.broadcast %squeeze3A_238 : f32 to vector<16xf32>
    %swap3A_240 = arith.constant 496 : index
    %swap3A_241 = tpu.vector_load %arg9[%swap3A_240] {strides = array<i32>} : memref<2048xf32, #tpu.memory_space<vmem>>, vector<16xf32>,
    %swap3A_242 = vector.shape_cast %swap3A_241 : vector<16xf32> to vector<16xf32>
    %swap3A_243 = vector.shape_cast %broadcast_in_dim3A_239 : vector<16xf32> to vector<16xf32>
    tpu.vector_store %arg9[%swap3A_240], %swap3A_243 {strides = array<i32>} : memref<2048xf32, #tpu.memory_space<vmem>>, vector<16xf32>,
    %get3A_244 = arith.constant 32 : index
    %get3A_245 = tpu.vector_load %arg8[%get3A_244] {strides = array<i32>} : memref<128xf32, #tpu.memory_space<vmem>>, vector<16xf32>,
    %get3A_246 = vector.shape_cast %get3A_245 : vector<16xf32> to vector<16xf32>
    %mul3A_247 = vector.broadcast %squeeze3A_10 : f32 to vector<16xf32>
    %mul3A_248 = arith.mulf %get3A_246, %mul3A_247 : vector<16xf32>
    %slice3A_249 = vector.extract_strided_slice %mul3A_248 {offsets = [0], sizes = [1], strides = [1]} : vector<16xf32> to vector<1xf32>
    %squeeze3A_250 = vector.extract %slice3A_249[0] : f32 from vector<1xf32>
    %broadcast_in_dim3A_251 = vector.broadcast %squeeze3A_250 : f32 to vector<16xf32>
    %swap3A_252 = arith.constant 512 : index
    %swap3A_253 = tpu.vector_load %arg9[%swap3A_252] {strides = array<i32>} : memref<2048xf32, #tpu.memory_space<vmem>>, vector<16xf32>,
    %swap3A_254 = vector.shape_cast %swap3A_253 : vector<16xf32> to vector<16xf32>
    %swap3A_255 = vector.shape_cast %broadcast_in_dim3A_251 : vector<16xf32> to vector<16xf32>
    tpu.vector_store %arg9[%swap3A_252], %swap3A_255 {strides = array<i32>} : memref<2048xf32, #tpu.memory_space<vmem>>, vector<16xf32>,
    %slice3A_256 = vector.extract_strided_slice %mul3A_248 {offsets = [1], sizes = [1], strides = [1]} : vector<16xf32> to vector<1xf32>
    %squeeze3A_257 = vector.extract %slice3A_256[0] : f32 from vector<1xf32>
    %broadcast_in_dim3A_258 = vector.broadcast %squeeze3A_257 : f32 to vector<16xf32>
    %swap3A_259 = arith.constant 528 : index
    %swap3A_260 = tpu.vector_load %arg9[%swap3A_259] {strides = array<i32>} : memref<2048xf32, #tpu.memory_space<vmem>>, vector<16xf32>,
    %swap3A_261 = vector.shape_cast %swap3A_260 : vector<16xf32> to vector<16xf32>
    %swap3A_262 = vector.shape_cast %broadcast_in_dim3A_258 : vector<16xf32> to vector<16xf32>
    tpu.vector_store %arg9[%swap3A_259], %swap3A_262 {strides = array<i32>} : memref<2048xf32, #tpu.memory_space<vmem>>, vector<16xf32>,
    %slice3A_263 = vector.extract_strided_slice %mul3A_248 {offsets = [2], sizes = [1], strides = [1]} : vector<16xf32> to vector<1xf32>
    %squeeze3A_264 = vector.extract %slice3A_263[0] : f32 from vector<1xf32>
    %broadcast_in_dim3A_265 = vector.broadcast %squeeze3A_264 : f32 to vector<16xf32>
    %swap3A_266 = arith.constant 544 : index
    %swap3A_267 = tpu.vector_load %arg9[%swap3A_266] {strides = array<i32>} : memref<2048xf32, #tpu.memory_space<vmem>>, vector<16xf32>,
    %swap3A_268 = vector.shape_cast %swap3A_267 : vector<16xf32> to vector<16xf32>
    %swap3A_269 = vector.shape_cast %broadcast_in_dim3A_265 : vector<16xf32> to vector<16xf32>
    tpu.vector_store %arg9[%swap3A_266], %swap3A_269 {strides = array<i32>} : memref<2048xf32, #tpu.memory_space<vmem>>, vector<16xf32>,
    %slice3A_270 = vector.extract_strided_slice %mul3A_248 {offsets = [3], sizes = [1], strides = [1]} : vector<16xf32> to vector<1xf32>
    %squeeze3A_271 = vector.extract %slice3A_270[0] : f32 from vector<1xf32>
    %broadcast_in_dim3A_272 = vector.broadcast %squeeze3A_271 : f32 to vector<16xf32>
    %swap3A_273 = arith.constant 560 : index
    %swap3A_274 = tpu.vector_load %arg9[%swap3A_273] {strides = array<i32>} : memref<2048xf32, #tpu.memory_space<vmem>>, vector<16xf32>,
    %swap3A_275 = vector.shape_cast %swap3A_274 : vector<16xf32> to vector<16xf32>
    %swap3A_276 = vector.shape_cast %broadcast_in_dim3A_272 : vector<16xf32> to vector<16xf32>
    tpu.vector_store %arg9[%swap3A_273], %swap3A_276 {strides = array<i32>} : memref<2048xf32, #tpu.memory_space<vmem>>, vector<16xf32>,
    %slice3A_277 = vector.extract_strided_slice %mul3A_248 {offsets = [4], sizes = [1], strides = [1]} : vector<16xf32> to vector<1xf32>
    %squeeze3A_278 = vector.extract %slice3A_277[0] : f32 from vector<1xf32>
    %broadcast_in_dim3A_279 = vector.broadcast %squeeze3A_278 : f32 to vector<16xf32>
    %swap3A_280 = arith.constant 576 : index
    %swap3A_281 = tpu.vector_load %arg9[%swap3A_280] {strides = array<i32>} : memref<2048xf32, #tpu.memory_space<vmem>>, vector<16xf32>,
    %swap3A_282 = vector.shape_cast %swap3A_281 : vector<16xf32> to vector<16xf32>
    %swap3A_283 = vector.shape_cast %broadcast_in_dim3A_279 : vector<16xf32> to vector<16xf32>
    tpu.vector_store %arg9[%swap3A_280], %swap3A_283 {strides = array<i32>} : memref<2048xf32, #tpu.memory_space<vmem>>, vector<16xf32>,
    %slice3A_284 = vector.extract_strided_slice %mul3A_248 {offsets = [5], sizes = [1], strides = [1]} : vector<16xf32> to vector<1xf32>
    %squeeze3A_285 = vector.extract %slice3A_284[0] : f32 from vector<1xf32>
    %broadcast_in_dim3A_286 = vector.broadcast %squeeze3A_285 : f32 to vector<16xf32>
    %swap3A_287 = arith.constant 592 : index
    %swap3A_288 = tpu.vector_load %arg9[%swap3A_287] {strides = array<i32>} : memref<2048xf32, #tpu.memory_space<vmem>>, vector<16xf32>,
    %swap3A_289 = vector.shape_cast %swap3A_288 : vector<16xf32> to vector<16xf32>
    %swap3A_290 = vector.shape_cast %broadcast_in_dim3A_286 : vector<16xf32> to vector<16xf32>
    tpu.vector_store %arg9[%swap3A_287], %swap3A_290 {strides = array<i32>} : memref<2048xf32, #tpu.memory_space<vmem>>, vector<16xf32>,
    %slice3A_291 = vector.extract_strided_slice %mul3A_248 {offsets = [6], sizes = [1], strides = [1]} : vector<16xf32> to vector<1xf32>
    %squeeze3A_292 = vector.extract %slice3A_291[0] : f32 from vector<1xf32>
    %broadcast_in_dim3A_293 = vector.broadcast %squeeze3A_292 : f32 to vector<16xf32>
    %swap3A_294 = arith.constant 608 : index
    %swap3A_295 = tpu.vector_load %arg9[%swap3A_294] {strides = array<i32>} : memref<2048xf32, #tpu.memory_space<vmem>>, vector<16xf32>,
    %swap3A_296 = vector.shape_cast %swap3A_295 : vector<16xf32> to vector<16xf32>
    %swap3A_297 = vector.shape_cast %broadcast_in_dim3A_293 : vector<16xf32> to vector<16xf32>
    tpu.vector_store %arg9[%swap3A_294], %swap3A_297 {strides = array<i32>} : memref<2048xf32, #tpu.memory_space<vmem>>, vector<16xf32>,
    %slice3A_298 = vector.extract_strided_slice %mul3A_248 {offsets = [7], sizes = [1], strides = [1]} : vector<16xf32> to vector<1xf32>
    %squeeze3A_299 = vector.extract %slice3A_298[0] : f32 from vector<1xf32>
    %broadcast_in_dim3A_300 = vector.broadcast %squeeze3A_299 : f32 to vector<16xf32>
    %swap3A_301 = arith.constant 624 : index
    %swap3A_302 = tpu.vector_load %arg9[%swap3A_301] {strides = array<i32>} : memref<2048xf32, #tpu.memory_space<vmem>>, vector<16xf32>,
    %swap3A_303 = vector.shape_cast %swap3A_302 : vector<16xf32> to vector<16xf32>
    %swap3A_304 = vector.shape_cast %broadcast_in_dim3A_300 : vector<16xf32> to vector<16xf32>
    tpu.vector_store %arg9[%swap3A_301], %swap3A_304 {strides = array<i32>} : memref<2048xf32, #tpu.memory_space<vmem>>, vector<16xf32>,
    %slice3A_305 = vector.extract_strided_slice %mul3A_248 {offsets = [8], sizes = [1], strides = [1]} : vector<16xf32> to vector<1xf32>
    %squeeze3A_306 = vector.extract %slice3A_305[0] : f32 from vector<1xf32>
    %broadcast_in_dim3A_307 = vector.broadcast %squeeze3A_306 : f32 to vector<16xf32>
    %swap3A_308 = arith.constant 640 : index
    %swap3A_309 = tpu.vector_load %arg9[%swap3A_308] {strides = array<i32>} : memref<2048xf32, #tpu.memory_space<vmem>>, vector<16xf32>,
    %swap3A_310 = vector.shape_cast %swap3A_309 : vector<16xf32> to vector<16xf32>
    %swap3A_311 = vector.shape_cast %broadcast_in_dim3A_307 : vector<16xf32> to vector<16xf32>
    tpu.vector_store %arg9[%swap3A_308], %swap3A_311 {strides = array<i32>} : memref<2048xf32, #tpu.memory_space<vmem>>, vector<16xf32>,
    %slice3A_312 = vector.extract_strided_slice %mul3A_248 {offsets = [9], sizes = [1], strides = [1]} : vector<16xf32> to vector<1xf32>
    %squeeze3A_313 = vector.extract %slice3A_312[0] : f32 from vector<1xf32>
    %broadcast_in_dim3A_314 = vector.broadcast %squeeze3A_313 : f32 to vector<16xf32>
    %swap3A_315 = arith.constant 656 : index
    %swap3A_316 = tpu.vector_load %arg9[%swap3A_315] {strides = array<i32>} : memref<2048xf32, #tpu.memory_space<vmem>>, vector<16xf32>,
    %swap3A_317 = vector.shape_cast %swap3A_316 : vector<16xf32> to vector<16xf32>
    %swap3A_318 = vector.shape_cast %broadcast_in_dim3A_314 : vector<16xf32> to vector<16xf32>
    tpu.vector_store %arg9[%swap3A_315], %swap3A_318 {strides = array<i32>} : memref<2048xf32, #tpu.memory_space<vmem>>, vector<16xf32>,
    %slice3A_319 = vector.extract_strided_slice %mul3A_248 {offsets = [10], sizes = [1], strides = [1]} : vector<16xf32> to vector<1xf32>
    %squeeze3A_320 = vector.extract %slice3A_319[0] : f32 from vector<1xf32>
    %broadcast_in_dim3A_321 = vector.broadcast %squeeze3A_320 : f32 to vector<16xf32>
    %swap3A_322 = arith.constant 672 : index
    %swap3A_323 = tpu.vector_load %arg9[%swap3A_322] {strides = array<i32>} : memref<2048xf32, #tpu.memory_space<vmem>>, vector<16xf32>,
    %swap3A_324 = vector.shape_cast %swap3A_323 : vector<16xf32> to vector<16xf32>
    %swap3A_325 = vector.shape_cast %broadcast_in_dim3A_321 : vector<16xf32> to vector<16xf32>
    tpu.vector_store %arg9[%swap3A_322], %swap3A_325 {strides = array<i32>} : memref<2048xf32, #tpu.memory_space<vmem>>, vector<16xf32>,
    %slice3A_326 = vector.extract_strided_slice %mul3A_248 {offsets = [11], sizes = [1], strides = [1]} : vector<16xf32> to vector<1xf32>
    %squeeze3A_327 = vector.extract %slice3A_326[0] : f32 from vector<1xf32>
    %broadcast_in_dim3A_328 = vector.broadcast %squeeze3A_327 : f32 to vector<16xf32>
    %swap3A_329 = arith.constant 688 : index
    %swap3A_330 = tpu.vector_load %arg9[%swap3A_329] {strides = array<i32>} : memref<2048xf32, #tpu.memory_space<vmem>>, vector<16xf32>,
    %swap3A_331 = vector.shape_cast %swap3A_330 : vector<16xf32> to vector<16xf32>
    %swap3A_332 = vector.shape_cast %broadcast_in_dim3A_328 : vector<16xf32> to vector<16xf32>
    tpu.vector_store %arg9[%swap3A_329], %swap3A_332 {strides = array<i32>} : memref<2048xf32, #tpu.memory_space<vmem>>, vector<16xf32>,
    %slice3A_333 = vector.extract_strided_slice %mul3A_248 {offsets = [12], sizes = [1], strides = [1]} : vector<16xf32> to vector<1xf32>
    %squeeze3A_334 = vector.extract %slice3A_333[0] : f32 from vector<1xf32>
    %broadcast_in_dim3A_335 = vector.broadcast %squeeze3A_334 : f32 to vector<16xf32>
    %swap3A_336 = arith.constant 704 : index
    %swap3A_337 = tpu.vector_load %arg9[%swap3A_336] {strides = array<i32>} : memref<2048xf32, #tpu.memory_space<vmem>>, vector<16xf32>,
    %swap3A_338 = vector.shape_cast %swap3A_337 : vector<16xf32> to vector<16xf32>
    %swap3A_339 = vector.shape_cast %broadcast_in_dim3A_335 : vector<16xf32> to vector<16xf32>
    tpu.vector_store %arg9[%swap3A_336], %swap3A_339 {strides = array<i32>} : memref<2048xf32, #tpu.memory_space<vmem>>, vector<16xf32>,
    %slice3A_340 = vector.extract_strided_slice %mul3A_248 {offsets = [13], sizes = [1], strides = [1]} : vector<16xf32> to vector<1xf32>
    %squeeze3A_341 = vector.extract %slice3A_340[0] : f32 from vector<1xf32>
    %broadcast_in_dim3A_342 = vector.broadcast %squeeze3A_341 : f32 to vector<16xf32>
    %swap3A_343 = arith.constant 720 : index
    %swap3A_344 = tpu.vector_load %arg9[%swap3A_343] {strides = array<i32>} : memref<2048xf32, #tpu.memory_space<vmem>>, vector<16xf32>,
    %swap3A_345 = vector.shape_cast %swap3A_344 : vector<16xf32> to vector<16xf32>
    %swap3A_346 = vector.shape_cast %broadcast_in_dim3A_342 : vector<16xf32> to vector<16xf32>
    tpu.vector_store %arg9[%swap3A_343], %swap3A_346 {strides = array<i32>} : memref<2048xf32, #tpu.memory_space<vmem>>, vector<16xf32>,
    %slice3A_347 = vector.extract_strided_slice %mul3A_248 {offsets = [14], sizes = [1], strides = [1]} : vector<16xf32> to vector<1xf32>
    %squeeze3A_348 = vector.extract %slice3A_347[0] : f32 from vector<1xf32>
    %broadcast_in_dim3A_349 = vector.broadcast %squeeze3A_348 : f32 to vector<16xf32>
    %swap3A_350 = arith.constant 736 : index
    %swap3A_351 = tpu.vector_load %arg9[%swap3A_350] {strides = array<i32>} : memref<2048xf32, #tpu.memory_space<vmem>>, vector<16xf32>,
    %swap3A_352 = vector.shape_cast %swap3A_351 : vector<16xf32> to vector<16xf32>
    %swap3A_353 = vector.shape_cast %broadcast_in_dim3A_349 : vector<16xf32> to vector<16xf32>
    tpu.vector_store %arg9[%swap3A_350], %swap3A_353 {strides = array<i32>} : memref<2048xf32, #tpu.memory_space<vmem>>, vector<16xf32>,
    %slice3A_354 = vector.extract_strided_slice %mul3A_248 {offsets = [15], sizes = [1], strides = [1]} : vector<16xf32> to vector<1xf32>
    %squeeze3A_355 = vector.extract %slice3A_354[0] : f32 from vector<1xf32>
    %broadcast_in_dim3A_356 = vector.broadcast %squeeze3A_355 : f32 to vector<16xf32>
    %swap3A_357 = arith.constant 752 : index
    %swap3A_358 = tpu.vector_load %arg9[%swap3A_357] {strides = array<i32>} : memref<2048xf32, #tpu.memory_space<vmem>>, vector<16xf32>,
    %swap3A_359 = vector.shape_cast %swap3A_358 : vector<16xf32> to vector<16xf32>
    %swap3A_360 = vector.shape_cast %broadcast_in_dim3A_356 : vector<16xf32> to vector<16xf32>
    tpu.vector_store %arg9[%swap3A_357], %swap3A_360 {strides = array<i32>} : memref<2048xf32, #tpu.memory_space<vmem>>, vector<16xf32>,
    %get3A_361 = arith.constant 48 : index
    %get3A_362 = tpu.vector_load %arg8[%get3A_361] {strides = array<i32>} : memref<128xf32, #tpu.memory_space<vmem>>, vector<16xf32>,
    %get3A_363 = vector.shape_cast %get3A_362 : vector<16xf32> to vector<16xf32>
    %mul3A_364 = vector.broadcast %squeeze3A_10 : f32 to vector<16xf32>
    %mul3A_365 = arith.mulf %get3A_363, %mul3A_364 : vector<16xf32>
    %slice3A_366 = vector.extract_strided_slice %mul3A_365 {offsets = [0], sizes = [1], strides = [1]} : vector<16xf32> to vector<1xf32>
    %squeeze3A_367 = vector.extract %slice3A_366[0] : f32 from vector<1xf32>
    %broadcast_in_dim3A_368 = vector.broadcast %squeeze3A_367 : f32 to vector<16xf32>
    %swap3A_369 = arith.constant 768 : index
    %swap3A_370 = tpu.vector_load %arg9[%swap3A_369] {strides = array<i32>} : memref<2048xf32, #tpu.memory_space<vmem>>, vector<16xf32>,
    %swap3A_371 = vector.shape_cast %swap3A_370 : vector<16xf32> to vector<16xf32>
    %swap3A_372 = vector.shape_cast %broadcast_in_dim3A_368 : vector<16xf32> to vector<16xf32>
    tpu.vector_store %arg9[%swap3A_369], %swap3A_372 {strides = array<i32>} : memref<2048xf32, #tpu.memory_space<vmem>>, vector<16xf32>,
    %slice3A_373 = vector.extract_strided_slice %mul3A_365 {offsets = [1], sizes = [1], strides = [1]} : vector<16xf32> to vector<1xf32>
    %squeeze3A_374 = vector.extract %slice3A_373[0] : f32 from vector<1xf32>
    %broadcast_in_dim3A_375 = vector.broadcast %squeeze3A_374 : f32 to vector<16xf32>
    %swap3A_376 = arith.constant 784 : index
    %swap3A_377 = tpu.vector_load %arg9[%swap3A_376] {strides = array<i32>} : memref<2048xf32, #tpu.memory_space<vmem>>, vector<16xf32>,
    %swap3A_378 = vector.shape_cast %swap3A_377 : vector<16xf32> to vector<16xf32>
    %swap3A_379 = vector.shape_cast %broadcast_in_dim3A_375 : vector<16xf32> to vector<16xf32>
    tpu.vector_store %arg9[%swap3A_376], %swap3A_379 {strides = array<i32>} : memref<2048xf32, #tpu.memory_space<vmem>>, vector<16xf32>,
    %slice3A_380 = vector.extract_strided_slice %mul3A_365 {offsets = [2], sizes = [1], strides = [1]} : vector<16xf32> to vector<1xf32>
    %squeeze3A_381 = vector.extract %slice3A_380[0] : f32 from vector<1xf32>
    %broadcast_in_dim3A_382 = vector.broadcast %squeeze3A_381 : f32 to vector<16xf32>
    %swap3A_383 = arith.constant 800 : index
    %swap3A_384 = tpu.vector_load %arg9[%swap3A_383] {strides = array<i32>} : memref<2048xf32, #tpu.memory_space<vmem>>, vector<16xf32>,
    %swap3A_385 = vector.shape_cast %swap3A_384 : vector<16xf32> to vector<16xf32>
    %swap3A_386 = vector.shape_cast %broadcast_in_dim3A_382 : vector<16xf32> to vector<16xf32>
    tpu.vector_store %arg9[%swap3A_383], %swap3A_386 {strides = array<i32>} : memref<2048xf32, #tpu.memory_space<vmem>>, vector<16xf32>,
    %slice3A_387 = vector.extract_strided_slice %mul3A_365 {offsets = [3], sizes = [1], strides = [1]} : vector<16xf32> to vector<1xf32>
    %squeeze3A_388 = vector.extract %slice3A_387[0] : f32 from vector<1xf32>
    %broadcast_in_dim3A_389 = vector.broadcast %squeeze3A_388 : f32 to vector<16xf32>
    %swap3A_390 = arith.constant 816 : index
    %swap3A_391 = tpu.vector_load %arg9[%swap3A_390] {strides = array<i32>} : memref<2048xf32, #tpu.memory_space<vmem>>, vector<16xf32>,
    %swap3A_392 = vector.shape_cast %swap3A_391 : vector<16xf32> to vector<16xf32>
    %swap3A_393 = vector.shape_cast %broadcast_in_dim3A_389 : vector<16xf32> to vector<16xf32>
    tpu.vector_store %arg9[%swap3A_390], %swap3A_393 {strides = array<i32>} : memref<2048xf32, #tpu.memory_space<vmem>>, vector<16xf32>,
    %slice3A_394 = vector.extract_strided_slice %mul3A_365 {offsets = [4], sizes = [1], strides = [1]} : vector<16xf32> to vector<1xf32>
    %squeeze3A_395 = vector.extract %slice3A_394[0] : f32 from vector<1xf32>
    %broadcast_in_dim3A_396 = vector.broadcast %squeeze3A_395 : f32 to vector<16xf32>
    %swap3A_397 = arith.constant 832 : index
    %swap3A_398 = tpu.vector_load %arg9[%swap3A_397] {strides = array<i32>} : memref<2048xf32, #tpu.memory_space<vmem>>, vector<16xf32>,
    %swap3A_399 = vector.shape_cast %swap3A_398 : vector<16xf32> to vector<16xf32>
    %swap3A_400 = vector.shape_cast %broadcast_in_dim3A_396 : vector<16xf32> to vector<16xf32>
    tpu.vector_store %arg9[%swap3A_397], %swap3A_400 {strides = array<i32>} : memref<2048xf32, #tpu.memory_space<vmem>>, vector<16xf32>,
    %slice3A_401 = vector.extract_strided_slice %mul3A_365 {offsets = [5], sizes = [1], strides = [1]} : vector<16xf32> to vector<1xf32>
    %squeeze3A_402 = vector.extract %slice3A_401[0] : f32 from vector<1xf32>
    %broadcast_in_dim3A_403 = vector.broadcast %squeeze3A_402 : f32 to vector<16xf32>
    %swap3A_404 = arith.constant 848 : index
    %swap3A_405 = tpu.vector_load %arg9[%swap3A_404] {strides = array<i32>} : memref<2048xf32, #tpu.memory_space<vmem>>, vector<16xf32>,
    %swap3A_406 = vector.shape_cast %swap3A_405 : vector<16xf32> to vector<16xf32>
    %swap3A_407 = vector.shape_cast %broadcast_in_dim3A_403 : vector<16xf32> to vector<16xf32>
    tpu.vector_store %arg9[%swap3A_404], %swap3A_407 {strides = array<i32>} : memref<2048xf32, #tpu.memory_space<vmem>>, vector<16xf32>,
    %slice3A_408 = vector.extract_strided_slice %mul3A_365 {offsets = [6], sizes = [1], strides = [1]} : vector<16xf32> to vector<1xf32>
    %squeeze3A_409 = vector.extract %slice3A_408[0] : f32 from vector<1xf32>
    %broadcast_in_dim3A_410 = vector.broadcast %squeeze3A_409 : f32 to vector<16xf32>
    %swap3A_411 = arith.constant 864 : index
    %swap3A_412 = tpu.vector_load %arg9[%swap3A_411] {strides = array<i32>} : memref<2048xf32, #tpu.memory_space<vmem>>, vector<16xf32>,
    %swap3A_413 = vector.shape_cast %swap3A_412 : vector<16xf32> to vector<16xf32>
    %swap3A_414 = vector.shape_cast %broadcast_in_dim3A_410 : vector<16xf32> to vector<16xf32>
    tpu.vector_store %arg9[%swap3A_411], %swap3A_414 {strides = array<i32>} : memref<2048xf32, #tpu.memory_space<vmem>>, vector<16xf32>,
    %slice3A_415 = vector.extract_strided_slice %mul3A_365 {offsets = [7], sizes = [1], strides = [1]} : vector<16xf32> to vector<1xf32>
    %squeeze3A_416 = vector.extract %slice3A_415[0] : f32 from vector<1xf32>
    %broadcast_in_dim3A_417 = vector.broadcast %squeeze3A_416 : f32 to vector<16xf32>
    %swap3A_418 = arith.constant 880 : index
    %swap3A_419 = tpu.vector_load %arg9[%swap3A_418] {strides = array<i32>} : memref<2048xf32, #tpu.memory_space<vmem>>, vector<16xf32>,
    %swap3A_420 = vector.shape_cast %swap3A_419 : vector<16xf32> to vector<16xf32>
    %swap3A_421 = vector.shape_cast %broadcast_in_dim3A_417 : vector<16xf32> to vector<16xf32>
    tpu.vector_store %arg9[%swap3A_418], %swap3A_421 {strides = array<i32>} : memref<2048xf32, #tpu.memory_space<vmem>>, vector<16xf32>,
    %slice3A_422 = vector.extract_strided_slice %mul3A_365 {offsets = [8], sizes = [1], strides = [1]} : vector<16xf32> to vector<1xf32>
    %squeeze3A_423 = vector.extract %slice3A_422[0] : f32 from vector<1xf32>
    %broadcast_in_dim3A_424 = vector.broadcast %squeeze3A_423 : f32 to vector<16xf32>
    %swap3A_425 = arith.constant 896 : index
    %swap3A_426 = tpu.vector_load %arg9[%swap3A_425] {strides = array<i32>} : memref<2048xf32, #tpu.memory_space<vmem>>, vector<16xf32>,
    %swap3A_427 = vector.shape_cast %swap3A_426 : vector<16xf32> to vector<16xf32>
    %swap3A_428 = vector.shape_cast %broadcast_in_dim3A_424 : vector<16xf32> to vector<16xf32>
    tpu.vector_store %arg9[%swap3A_425], %swap3A_428 {strides = array<i32>} : memref<2048xf32, #tpu.memory_space<vmem>>, vector<16xf32>,
    %slice3A_429 = vector.extract_strided_slice %mul3A_365 {offsets = [9], sizes = [1], strides = [1]} : vector<16xf32> to vector<1xf32>
    %squeeze3A_430 = vector.extract %slice3A_429[0] : f32 from vector<1xf32>
    %broadcast_in_dim3A_431 = vector.broadcast %squeeze3A_430 : f32 to vector<16xf32>
    %swap3A_432 = arith.constant 912 : index
    %swap3A_433 = tpu.vector_load %arg9[%swap3A_432] {strides = array<i32>} : memref<2048xf32, #tpu.memory_space<vmem>>, vector<16xf32>,
    %swap3A_434 = vector.shape_cast %swap3A_433 : vector<16xf32> to vector<16xf32>
    %swap3A_435 = vector.shape_cast %broadcast_in_dim3A_431 : vector<16xf32> to vector<16xf32>
    tpu.vector_store %arg9[%swap3A_432], %swap3A_435 {strides = array<i32>} : memref<2048xf32, #tpu.memory_space<vmem>>, vector<16xf32>,
    %slice3A_436 = vector.extract_strided_slice %mul3A_365 {offsets = [10], sizes = [1], strides = [1]} : vector<16xf32> to vector<1xf32>
    %squeeze3A_437 = vector.extract %slice3A_436[0] : f32 from vector<1xf32>
    %broadcast_in_dim3A_438 = vector.broadcast %squeeze3A_437 : f32 to vector<16xf32>
    %swap3A_439 = arith.constant 928 : index
    %swap3A_440 = tpu.vector_load %arg9[%swap3A_439] {strides = array<i32>} : memref<2048xf32, #tpu.memory_space<vmem>>, vector<16xf32>,
    %swap3A_441 = vector.shape_cast %swap3A_440 : vector<16xf32> to vector<16xf32>
    %swap3A_442 = vector.shape_cast %broadcast_in_dim3A_438 : vector<16xf32> to vector<16xf32>
    tpu.vector_store %arg9[%swap3A_439], %swap3A_442 {strides = array<i32>} : memref<2048xf32, #tpu.memory_space<vmem>>, vector<16xf32>,
    %slice3A_443 = vector.extract_strided_slice %mul3A_365 {offsets = [11], sizes = [1], strides = [1]} : vector<16xf32> to vector<1xf32>
    %squeeze3A_444 = vector.extract %slice3A_443[0] : f32 from vector<1xf32>
    %broadcast_in_dim3A_445 = vector.broadcast %squeeze3A_444 : f32 to vector<16xf32>
    %swap3A_446 = arith.constant 944 : index
    %swap3A_447 = tpu.vector_load %arg9[%swap3A_446] {strides = array<i32>} : memref<2048xf32, #tpu.memory_space<vmem>>, vector<16xf32>,
    %swap3A_448 = vector.shape_cast %swap3A_447 : vector<16xf32> to vector<16xf32>
    %swap3A_449 = vector.shape_cast %broadcast_in_dim3A_445 : vector<16xf32> to vector<16xf32>
    tpu.vector_store %arg9[%swap3A_446], %swap3A_449 {strides = array<i32>} : memref<2048xf32, #tpu.memory_space<vmem>>, vector<16xf32>,
    %slice3A_450 = vector.extract_strided_slice %mul3A_365 {offsets = [12], sizes = [1], strides = [1]} : vector<16xf32> to vector<1xf32>
    %squeeze3A_451 = vector.extract %slice3A_450[0] : f32 from vector<1xf32>
    %broadcast_in_dim3A_452 = vector.broadcast %squeeze3A_451 : f32 to vector<16xf32>
    %swap3A_453 = arith.constant 960 : index
    %swap3A_454 = tpu.vector_load %arg9[%swap3A_453] {strides = array<i32>} : memref<2048xf32, #tpu.memory_space<vmem>>, vector<16xf32>,
    %swap3A_455 = vector.shape_cast %swap3A_454 : vector<16xf32> to vector<16xf32>
    %swap3A_456 = vector.shape_cast %broadcast_in_dim3A_452 : vector<16xf32> to vector<16xf32>
    tpu.vector_store %arg9[%swap3A_453], %swap3A_456 {strides = array<i32>} : memref<2048xf32, #tpu.memory_space<vmem>>, vector<16xf32>,
    %slice3A_457 = vector.extract_strided_slice %mul3A_365 {offsets = [13], sizes = [1], strides = [1]} : vector<16xf32> to vector<1xf32>
    %squeeze3A_458 = vector.extract %slice3A_457[0] : f32 from vector<1xf32>
    %broadcast_in_dim3A_459 = vector.broadcast %squeeze3A_458 : f32 to vector<16xf32>
    %swap3A_460 = arith.constant 976 : index
    %swap3A_461 = tpu.vector_load %arg9[%swap3A_460] {strides = array<i32>} : memref<2048xf32, #tpu.memory_space<vmem>>, vector<16xf32>,
    %swap3A_462 = vector.shape_cast %swap3A_461 : vector<16xf32> to vector<16xf32>
    %swap3A_463 = vector.shape_cast %broadcast_in_dim3A_459 : vector<16xf32> to vector<16xf32>
    tpu.vector_store %arg9[%swap3A_460], %swap3A_463 {strides = array<i32>} : memref<2048xf32, #tpu.memory_space<vmem>>, vector<16xf32>,
    %slice3A_464 = vector.extract_strided_slice %mul3A_365 {offsets = [14], sizes = [1], strides = [1]} : vector<16xf32> to vector<1xf32>
    %squeeze3A_465 = vector.extract %slice3A_464[0] : f32 from vector<1xf32>
    %broadcast_in_dim3A_466 = vector.broadcast %squeeze3A_465 : f32 to vector<16xf32>
    %swap3A_467 = arith.constant 992 : index
    %swap3A_468 = tpu.vector_load %arg9[%swap3A_467] {strides = array<i32>} : memref<2048xf32, #tpu.memory_space<vmem>>, vector<16xf32>,
    %swap3A_469 = vector.shape_cast %swap3A_468 : vector<16xf32> to vector<16xf32>
    %swap3A_470 = vector.shape_cast %broadcast_in_dim3A_466 : vector<16xf32> to vector<16xf32>
    tpu.vector_store %arg9[%swap3A_467], %swap3A_470 {strides = array<i32>} : memref<2048xf32, #tpu.memory_space<vmem>>, vector<16xf32>,
    %slice3A_471 = vector.extract_strided_slice %mul3A_365 {offsets = [15], sizes = [1], strides = [1]} : vector<16xf32> to vector<1xf32>
    %squeeze3A_472 = vector.extract %slice3A_471[0] : f32 from vector<1xf32>
    %broadcast_in_dim3A_473 = vector.broadcast %squeeze3A_472 : f32 to vector<16xf32>
    %swap3A_474 = arith.constant 1008 : index
    %swap3A_475 = tpu.vector_load %arg9[%swap3A_474] {strides = array<i32>} : memref<2048xf32, #tpu.memory_space<vmem>>, vector<16xf32>,
    %swap3A_476 = vector.shape_cast %swap3A_475 : vector<16xf32> to vector<16xf32>
    %swap3A_477 = vector.shape_cast %broadcast_in_dim3A_473 : vector<16xf32> to vector<16xf32>
    tpu.vector_store %arg9[%swap3A_474], %swap3A_477 {strides = array<i32>} : memref<2048xf32, #tpu.memory_space<vmem>>, vector<16xf32>,
    %get3A_478 = arith.constant 64 : index
    %get3A_479 = tpu.vector_load %arg8[%get3A_478] {strides = array<i32>} : memref<128xf32, #tpu.memory_space<vmem>>, vector<16xf32>,
    %get3A_480 = vector.shape_cast %get3A_479 : vector<16xf32> to vector<16xf32>
    %mul3A_481 = vector.broadcast %squeeze3A_10 : f32 to vector<16xf32>
    %mul3A_482 = arith.mulf %get3A_480, %mul3A_481 : vector<16xf32>
    %slice3A_483 = vector.extract_strided_slice %mul3A_482 {offsets = [0], sizes = [1], strides = [1]} : vector<16xf32> to vector<1xf32>
    %squeeze3A_484 = vector.extract %slice3A_483[0] : f32 from vector<1xf32>
    %broadcast_in_dim3A_485 = vector.broadcast %squeeze3A_484 : f32 to vector<16xf32>
    %swap3A_486 = arith.constant 1024 : index
    %swap3A_487 = tpu.vector_load %arg9[%swap3A_486] {strides = array<i32>} : memref<2048xf32, #tpu.memory_space<vmem>>, vector<16xf32>,
    %swap3A_488 = vector.shape_cast %swap3A_487 : vector<16xf32> to vector<16xf32>
    %swap3A_489 = vector.shape_cast %broadcast_in_dim3A_485 : vector<16xf32> to vector<16xf32>
    tpu.vector_store %arg9[%swap3A_486], %swap3A_489 {strides = array<i32>} : memref<2048xf32, #tpu.memory_space<vmem>>, vector<16xf32>,
    %slice3A_490 = vector.extract_strided_slice %mul3A_482 {offsets = [1], sizes = [1], strides = [1]} : vector<16xf32> to vector<1xf32>
    %squeeze3A_491 = vector.extract %slice3A_490[0] : f32 from vector<1xf32>
    %broadcast_in_dim3A_492 = vector.broadcast %squeeze3A_491 : f32 to vector<16xf32>
    %swap3A_493 = arith.constant 1040 : index
    %swap3A_494 = tpu.vector_load %arg9[%swap3A_493] {strides = array<i32>} : memref<2048xf32, #tpu.memory_space<vmem>>, vector<16xf32>,
    %swap3A_495 = vector.shape_cast %swap3A_494 : vector<16xf32> to vector<16xf32>
    %swap3A_496 = vector.shape_cast %broadcast_in_dim3A_492 : vector<16xf32> to vector<16xf32>
    tpu.vector_store %arg9[%swap3A_493], %swap3A_496 {strides = array<i32>} : memref<2048xf32, #tpu.memory_space<vmem>>, vector<16xf32>,
    %slice3A_497 = vector.extract_strided_slice %mul3A_482 {offsets = [2], sizes = [1], strides = [1]} : vector<16xf32> to vector<1xf32>
    %squeeze3A_498 = vector.extract %slice3A_497[0] : f32 from vector<1xf32>
    %broadcast_in_dim3A_499 = vector.broadcast %squeeze3A_498 : f32 to vector<16xf32>
    %swap3A_500 = arith.constant 1056 : index
    %swap3A_501 = tpu.vector_load %arg9[%swap3A_500] {strides = array<i32>} : memref<2048xf32, #tpu.memory_space<vmem>>, vector<16xf32>,
    %swap3A_502 = vector.shape_cast %swap3A_501 : vector<16xf32> to vector<16xf32>
    %swap3A_503 = vector.shape_cast %broadcast_in_dim3A_499 : vector<16xf32> to vector<16xf32>
    tpu.vector_store %arg9[%swap3A_500], %swap3A_503 {strides = array<i32>} : memref<2048xf32, #tpu.memory_space<vmem>>, vector<16xf32>,
    %slice3A_504 = vector.extract_strided_slice %mul3A_482 {offsets = [3], sizes = [1], strides = [1]} : vector<16xf32> to vector<1xf32>
    %squeeze3A_505 = vector.extract %slice3A_504[0] : f32 from vector<1xf32>
    %broadcast_in_dim3A_506 = vector.broadcast %squeeze3A_505 : f32 to vector<16xf32>
    %swap3A_507 = arith.constant 1072 : index
    %swap3A_508 = tpu.vector_load %arg9[%swap3A_507] {strides = array<i32>} : memref<2048xf32, #tpu.memory_space<vmem>>, vector<16xf32>,
    %swap3A_509 = vector.shape_cast %swap3A_508 : vector<16xf32> to vector<16xf32>
    %swap3A_510 = vector.shape_cast %broadcast_in_dim3A_506 : vector<16xf32> to vector<16xf32>
    tpu.vector_store %arg9[%swap3A_507], %swap3A_510 {strides = array<i32>} : memref<2048xf32, #tpu.memory_space<vmem>>, vector<16xf32>,
    %slice3A_511 = vector.extract_strided_slice %mul3A_482 {offsets = [4], sizes = [1], strides = [1]} : vector<16xf32> to vector<1xf32>
    %squeeze3A_512 = vector.extract %slice3A_511[0] : f32 from vector<1xf32>
    %broadcast_in_dim3A_513 = vector.broadcast %squeeze3A_512 : f32 to vector<16xf32>
    %swap3A_514 = arith.constant 1088 : index
    %swap3A_515 = tpu.vector_load %arg9[%swap3A_514] {strides = array<i32>} : memref<2048xf32, #tpu.memory_space<vmem>>, vector<16xf32>,
    %swap3A_516 = vector.shape_cast %swap3A_515 : vector<16xf32> to vector<16xf32>
    %swap3A_517 = vector.shape_cast %broadcast_in_dim3A_513 : vector<16xf32> to vector<16xf32>
    tpu.vector_store %arg9[%swap3A_514], %swap3A_517 {strides = array<i32>} : memref<2048xf32, #tpu.memory_space<vmem>>, vector<16xf32>,
    %slice3A_518 = vector.extract_strided_slice %mul3A_482 {offsets = [5], sizes = [1], strides = [1]} : vector<16xf32> to vector<1xf32>
    %squeeze3A_519 = vector.extract %slice3A_518[0] : f32 from vector<1xf32>
    %broadcast_in_dim3A_520 = vector.broadcast %squeeze3A_519 : f32 to vector<16xf32>
    %swap3A_521 = arith.constant 1104 : index
    %swap3A_522 = tpu.vector_load %arg9[%swap3A_521] {strides = array<i32>} : memref<2048xf32, #tpu.memory_space<vmem>>, vector<16xf32>,
    %swap3A_523 = vector.shape_cast %swap3A_522 : vector<16xf32> to vector<16xf32>
    %swap3A_524 = vector.shape_cast %broadcast_in_dim3A_520 : vector<16xf32> to vector<16xf32>
    tpu.vector_store %arg9[%swap3A_521], %swap3A_524 {strides = array<i32>} : memref<2048xf32, #tpu.memory_space<vmem>>, vector<16xf32>,
    %slice3A_525 = vector.extract_strided_slice %mul3A_482 {offsets = [6], sizes = [1], strides = [1]} : vector<16xf32> to vector<1xf32>
    %squeeze3A_526 = vector.extract %slice3A_525[0] : f32 from vector<1xf32>
    %broadcast_in_dim3A_527 = vector.broadcast %squeeze3A_526 : f32 to vector<16xf32>
    %swap3A_528 = arith.constant 1120 : index
    %swap3A_529 = tpu.vector_load %arg9[%swap3A_528] {strides = array<i32>} : memref<2048xf32, #tpu.memory_space<vmem>>, vector<16xf32>,
    %swap3A_530 = vector.shape_cast %swap3A_529 : vector<16xf32> to vector<16xf32>
    %swap3A_531 = vector.shape_cast %broadcast_in_dim3A_527 : vector<16xf32> to vector<16xf32>
    tpu.vector_store %arg9[%swap3A_528], %swap3A_531 {strides = array<i32>} : memref<2048xf32, #tpu.memory_space<vmem>>, vector<16xf32>,
    %slice3A_532 = vector.extract_strided_slice %mul3A_482 {offsets = [7], sizes = [1], strides = [1]} : vector<16xf32> to vector<1xf32>
    %squeeze3A_533 = vector.extract %slice3A_532[0] : f32 from vector<1xf32>
    %broadcast_in_dim3A_534 = vector.broadcast %squeeze3A_533 : f32 to vector<16xf32>
    %swap3A_535 = arith.constant 1136 : index
    %swap3A_536 = tpu.vector_load %arg9[%swap3A_535] {strides = array<i32>} : memref<2048xf32, #tpu.memory_space<vmem>>, vector<16xf32>,
    %swap3A_537 = vector.shape_cast %swap3A_536 : vector<16xf32> to vector<16xf32>
    %swap3A_538 = vector.shape_cast %broadcast_in_dim3A_534 : vector<16xf32> to vector<16xf32>
    tpu.vector_store %arg9[%swap3A_535], %swap3A_538 {strides = array<i32>} : memref<2048xf32, #tpu.memory_space<vmem>>, vector<16xf32>,
    %slice3A_539 = vector.extract_strided_slice %mul3A_482 {offsets = [8], sizes = [1], strides = [1]} : vector<16xf32> to vector<1xf32>
    %squeeze3A_540 = vector.extract %slice3A_539[0] : f32 from vector<1xf32>
    %broadcast_in_dim3A_541 = vector.broadcast %squeeze3A_540 : f32 to vector<16xf32>
    %swap3A_542 = arith.constant 1152 : index
    %swap3A_543 = tpu.vector_load %arg9[%swap3A_542] {strides = array<i32>} : memref<2048xf32, #tpu.memory_space<vmem>>, vector<16xf32>,
    %swap3A_544 = vector.shape_cast %swap3A_543 : vector<16xf32> to vector<16xf32>
    %swap3A_545 = vector.shape_cast %broadcast_in_dim3A_541 : vector<16xf32> to vector<16xf32>
    tpu.vector_store %arg9[%swap3A_542], %swap3A_545 {strides = array<i32>} : memref<2048xf32, #tpu.memory_space<vmem>>, vector<16xf32>,
    %slice3A_546 = vector.extract_strided_slice %mul3A_482 {offsets = [9], sizes = [1], strides = [1]} : vector<16xf32> to vector<1xf32>
    %squeeze3A_547 = vector.extract %slice3A_546[0] : f32 from vector<1xf32>
    %broadcast_in_dim3A_548 = vector.broadcast %squeeze3A_547 : f32 to vector<16xf32>
    %swap3A_549 = arith.constant 1168 : index
    %swap3A_550 = tpu.vector_load %arg9[%swap3A_549] {strides = array<i32>} : memref<2048xf32, #tpu.memory_space<vmem>>, vector<16xf32>,
    %swap3A_551 = vector.shape_cast %swap3A_550 : vector<16xf32> to vector<16xf32>
    %swap3A_552 = vector.shape_cast %broadcast_in_dim3A_548 : vector<16xf32> to vector<16xf32>
    tpu.vector_store %arg9[%swap3A_549], %swap3A_552 {strides = array<i32>} : memref<2048xf32, #tpu.memory_space<vmem>>, vector<16xf32>,
    %slice3A_553 = vector.extract_strided_slice %mul3A_482 {offsets = [10], sizes = [1], strides = [1]} : vector<16xf32> to vector<1xf32>
    %squeeze3A_554 = vector.extract %slice3A_553[0] : f32 from vector<1xf32>
    %broadcast_in_dim3A_555 = vector.broadcast %squeeze3A_554 : f32 to vector<16xf32>
    %swap3A_556 = arith.constant 1184 : index
    %swap3A_557 = tpu.vector_load %arg9[%swap3A_556] {strides = array<i32>} : memref<2048xf32, #tpu.memory_space<vmem>>, vector<16xf32>,
    %swap3A_558 = vector.shape_cast %swap3A_557 : vector<16xf32> to vector<16xf32>
    %swap3A_559 = vector.shape_cast %broadcast_in_dim3A_555 : vector<16xf32> to vector<16xf32>
    tpu.vector_store %arg9[%swap3A_556], %swap3A_559 {strides = array<i32>} : memref<2048xf32, #tpu.memory_space<vmem>>, vector<16xf32>,
    %slice3A_560 = vector.extract_strided_slice %mul3A_482 {offsets = [11], sizes = [1], strides = [1]} : vector<16xf32> to vector<1xf32>
    %squeeze3A_561 = vector.extract %slice3A_560[0] : f32 from vector<1xf32>
    %broadcast_in_dim3A_562 = vector.broadcast %squeeze3A_561 : f32 to vector<16xf32>
    %swap3A_563 = arith.constant 1200 : index
    %swap3A_564 = tpu.vector_load %arg9[%swap3A_563] {strides = array<i32>} : memref<2048xf32, #tpu.memory_space<vmem>>, vector<16xf32>,
    %swap3A_565 = vector.shape_cast %swap3A_564 : vector<16xf32> to vector<16xf32>
    %swap3A_566 = vector.shape_cast %broadcast_in_dim3A_562 : vector<16xf32> to vector<16xf32>
    tpu.vector_store %arg9[%swap3A_563], %swap3A_566 {strides = array<i32>} : memref<2048xf32, #tpu.memory_space<vmem>>, vector<16xf32>,
    %slice3A_567 = vector.extract_strided_slice %mul3A_482 {offsets = [12], sizes = [1], strides = [1]} : vector<16xf32> to vector<1xf32>
    %squeeze3A_568 = vector.extract %slice3A_567[0] : f32 from vector<1xf32>
    %broadcast_in_dim3A_569 = vector.broadcast %squeeze3A_568 : f32 to vector<16xf32>
    %swap3A_570 = arith.constant 1216 : index
    %swap3A_571 = tpu.vector_load %arg9[%swap3A_570] {strides = array<i32>} : memref<2048xf32, #tpu.memory_space<vmem>>, vector<16xf32>,
    %swap3A_572 = vector.shape_cast %swap3A_571 : vector<16xf32> to vector<16xf32>
    %swap3A_573 = vector.shape_cast %broadcast_in_dim3A_569 : vector<16xf32> to vector<16xf32>
    tpu.vector_store %arg9[%swap3A_570], %swap3A_573 {strides = array<i32>} : memref<2048xf32, #tpu.memory_space<vmem>>, vector<16xf32>,
    %slice3A_574 = vector.extract_strided_slice %mul3A_482 {offsets = [13], sizes = [1], strides = [1]} : vector<16xf32> to vector<1xf32>
    %squeeze3A_575 = vector.extract %slice3A_574[0] : f32 from vector<1xf32>
    %broadcast_in_dim3A_576 = vector.broadcast %squeeze3A_575 : f32 to vector<16xf32>
    %swap3A_577 = arith.constant 1232 : index
    %swap3A_578 = tpu.vector_load %arg9[%swap3A_577] {strides = array<i32>} : memref<2048xf32, #tpu.memory_space<vmem>>, vector<16xf32>,
    %swap3A_579 = vector.shape_cast %swap3A_578 : vector<16xf32> to vector<16xf32>
    %swap3A_580 = vector.shape_cast %broadcast_in_dim3A_576 : vector<16xf32> to vector<16xf32>
    tpu.vector_store %arg9[%swap3A_577], %swap3A_580 {strides = array<i32>} : memref<2048xf32, #tpu.memory_space<vmem>>, vector<16xf32>,
    %slice3A_581 = vector.extract_strided_slice %mul3A_482 {offsets = [14], sizes = [1], strides = [1]} : vector<16xf32> to vector<1xf32>
    %squeeze3A_582 = vector.extract %slice3A_581[0] : f32 from vector<1xf32>
    %broadcast_in_dim3A_583 = vector.broadcast %squeeze3A_582 : f32 to vector<16xf32>
    %swap3A_584 = arith.constant 1248 : index
    %swap3A_585 = tpu.vector_load %arg9[%swap3A_584] {strides = array<i32>} : memref<2048xf32, #tpu.memory_space<vmem>>, vector<16xf32>,
    %swap3A_586 = vector.shape_cast %swap3A_585 : vector<16xf32> to vector<16xf32>
    %swap3A_587 = vector.shape_cast %broadcast_in_dim3A_583 : vector<16xf32> to vector<16xf32>
    tpu.vector_store %arg9[%swap3A_584], %swap3A_587 {strides = array<i32>} : memref<2048xf32, #tpu.memory_space<vmem>>, vector<16xf32>,
    %slice3A_588 = vector.extract_strided_slice %mul3A_482 {offsets = [15], sizes = [1], strides = [1]} : vector<16xf32> to vector<1xf32>
    %squeeze3A_589 = vector.extract %slice3A_588[0] : f32 from vector<1xf32>
    %broadcast_in_dim3A_590 = vector.broadcast %squeeze3A_589 : f32 to vector<16xf32>
    %swap3A_591 = arith.constant 1264 : index
    %swap3A_592 = tpu.vector_load %arg9[%swap3A_591] {strides = array<i32>} : memref<2048xf32, #tpu.memory_space<vmem>>, vector<16xf32>,
    %swap3A_593 = vector.shape_cast %swap3A_592 : vector<16xf32> to vector<16xf32>
    %swap3A_594 = vector.shape_cast %broadcast_in_dim3A_590 : vector<16xf32> to vector<16xf32>
    tpu.vector_store %arg9[%swap3A_591], %swap3A_594 {strides = array<i32>} : memref<2048xf32, #tpu.memory_space<vmem>>, vector<16xf32>,
    %get3A_595 = arith.constant 80 : index
    %get3A_596 = tpu.vector_load %arg8[%get3A_595] {strides = array<i32>} : memref<128xf32, #tpu.memory_space<vmem>>, vector<16xf32>,
    %get3A_597 = vector.shape_cast %get3A_596 : vector<16xf32> to vector<16xf32>
    %mul3A_598 = vector.broadcast %squeeze3A_10 : f32 to vector<16xf32>
    %mul3A_599 = arith.mulf %get3A_597, %mul3A_598 : vector<16xf32>
    %slice3A_600 = vector.extract_strided_slice %mul3A_599 {offsets = [0], sizes = [1], strides = [1]} : vector<16xf32> to vector<1xf32>
    %squeeze3A_601 = vector.extract %slice3A_600[0] : f32 from vector<1xf32>
    %broadcast_in_dim3A_602 = vector.broadcast %squeeze3A_601 : f32 to vector<16xf32>
    %swap3A_603 = arith.constant 1280 : index
    %swap3A_604 = tpu.vector_load %arg9[%swap3A_603] {strides = array<i32>} : memref<2048xf32, #tpu.memory_space<vmem>>, vector<16xf32>,
    %swap3A_605 = vector.shape_cast %swap3A_604 : vector<16xf32> to vector<16xf32>
    %swap3A_606 = vector.shape_cast %broadcast_in_dim3A_602 : vector<16xf32> to vector<16xf32>
    tpu.vector_store %arg9[%swap3A_603], %swap3A_606 {strides = array<i32>} : memref<2048xf32, #tpu.memory_space<vmem>>, vector<16xf32>,
    %slice3A_607 = vector.extract_strided_slice %mul3A_599 {offsets = [1], sizes = [1], strides = [1]} : vector<16xf32> to vector<1xf32>
    %squeeze3A_608 = vector.extract %slice3A_607[0] : f32 from vector<1xf32>
    %broadcast_in_dim3A_609 = vector.broadcast %squeeze3A_608 : f32 to vector<16xf32>
    %swap3A_610 = arith.constant 1296 : index
    %swap3A_611 = tpu.vector_load %arg9[%swap3A_610] {strides = array<i32>} : memref<2048xf32, #tpu.memory_space<vmem>>, vector<16xf32>,
    %swap3A_612 = vector.shape_cast %swap3A_611 : vector<16xf32> to vector<16xf32>
    %swap3A_613 = vector.shape_cast %broadcast_in_dim3A_609 : vector<16xf32> to vector<16xf32>
    tpu.vector_store %arg9[%swap3A_610], %swap3A_613 {strides = array<i32>} : memref<2048xf32, #tpu.memory_space<vmem>>, vector<16xf32>,
    %slice3A_614 = vector.extract_strided_slice %mul3A_599 {offsets = [2], sizes = [1], strides = [1]} : vector<16xf32> to vector<1xf32>
    %squeeze3A_615 = vector.extract %slice3A_614[0] : f32 from vector<1xf32>
    %broadcast_in_dim3A_616 = vector.broadcast %squeeze3A_615 : f32 to vector<16xf32>
    %swap3A_617 = arith.constant 1312 : index
    %swap3A_618 = tpu.vector_load %arg9[%swap3A_617] {strides = array<i32>} : memref<2048xf32, #tpu.memory_space<vmem>>, vector<16xf32>,
    %swap3A_619 = vector.shape_cast %swap3A_618 : vector<16xf32> to vector<16xf32>
    %swap3A_620 = vector.shape_cast %broadcast_in_dim3A_616 : vector<16xf32> to vector<16xf32>
    tpu.vector_store %arg9[%swap3A_617], %swap3A_620 {strides = array<i32>} : memref<2048xf32, #tpu.memory_space<vmem>>, vector<16xf32>,
    %slice3A_621 = vector.extract_strided_slice %mul3A_599 {offsets = [3], sizes = [1], strides = [1]} : vector<16xf32> to vector<1xf32>
    %squeeze3A_622 = vector.extract %slice3A_621[0] : f32 from vector<1xf32>
    %broadcast_in_dim3A_623 = vector.broadcast %squeeze3A_622 : f32 to vector<16xf32>
    %swap3A_624 = arith.constant 1328 : index
    %swap3A_625 = tpu.vector_load %arg9[%swap3A_624] {strides = array<i32>} : memref<2048xf32, #tpu.memory_space<vmem>>, vector<16xf32>,
    %swap3A_626 = vector.shape_cast %swap3A_625 : vector<16xf32> to vector<16xf32>
    %swap3A_627 = vector.shape_cast %broadcast_in_dim3A_623 : vector<16xf32> to vector<16xf32>
    tpu.vector_store %arg9[%swap3A_624], %swap3A_627 {strides = array<i32>} : memref<2048xf32, #tpu.memory_space<vmem>>, vector<16xf32>,
    %slice3A_628 = vector.extract_strided_slice %mul3A_599 {offsets = [4], sizes = [1], strides = [1]} : vector<16xf32> to vector<1xf32>
    %squeeze3A_629 = vector.extract %slice3A_628[0] : f32 from vector<1xf32>
    %broadcast_in_dim3A_630 = vector.broadcast %squeeze3A_629 : f32 to vector<16xf32>
    %swap3A_631 = arith.constant 1344 : index
    %swap3A_632 = tpu.vector_load %arg9[%swap3A_631] {strides = array<i32>} : memref<2048xf32, #tpu.memory_space<vmem>>, vector<16xf32>,
    %swap3A_633 = vector.shape_cast %swap3A_632 : vector<16xf32> to vector<16xf32>
    %swap3A_634 = vector.shape_cast %broadcast_in_dim3A_630 : vector<16xf32> to vector<16xf32>
    tpu.vector_store %arg9[%swap3A_631], %swap3A_634 {strides = array<i32>} : memref<2048xf32, #tpu.memory_space<vmem>>, vector<16xf32>,
    %slice3A_635 = vector.extract_strided_slice %mul3A_599 {offsets = [5], sizes = [1], strides = [1]} : vector<16xf32> to vector<1xf32>
    %squeeze3A_636 = vector.extract %slice3A_635[0] : f32 from vector<1xf32>
    %broadcast_in_dim3A_637 = vector.broadcast %squeeze3A_636 : f32 to vector<16xf32>
    %swap3A_638 = arith.constant 1360 : index
    %swap3A_639 = tpu.vector_load %arg9[%swap3A_638] {strides = array<i32>} : memref<2048xf32, #tpu.memory_space<vmem>>, vector<16xf32>,
    %swap3A_640 = vector.shape_cast %swap3A_639 : vector<16xf32> to vector<16xf32>
    %swap3A_641 = vector.shape_cast %broadcast_in_dim3A_637 : vector<16xf32> to vector<16xf32>
    tpu.vector_store %arg9[%swap3A_638], %swap3A_641 {strides = array<i32>} : memref<2048xf32, #tpu.memory_space<vmem>>, vector<16xf32>,
    %slice3A_642 = vector.extract_strided_slice %mul3A_599 {offsets = [6], sizes = [1], strides = [1]} : vector<16xf32> to vector<1xf32>
    %squeeze3A_643 = vector.extract %slice3A_642[0] : f32 from vector<1xf32>
    %broadcast_in_dim3A_644 = vector.broadcast %squeeze3A_643 : f32 to vector<16xf32>
    %swap3A_645 = arith.constant 1376 : index
    %swap3A_646 = tpu.vector_load %arg9[%swap3A_645] {strides = array<i32>} : memref<2048xf32, #tpu.memory_space<vmem>>, vector<16xf32>,
    %swap3A_647 = vector.shape_cast %swap3A_646 : vector<16xf32> to vector<16xf32>
    %swap3A_648 = vector.shape_cast %broadcast_in_dim3A_644 : vector<16xf32> to vector<16xf32>
    tpu.vector_store %arg9[%swap3A_645], %swap3A_648 {strides = array<i32>} : memref<2048xf32, #tpu.memory_space<vmem>>, vector<16xf32>,
    %slice3A_649 = vector.extract_strided_slice %mul3A_599 {offsets = [7], sizes = [1], strides = [1]} : vector<16xf32> to vector<1xf32>
    %squeeze3A_650 = vector.extract %slice3A_649[0] : f32 from vector<1xf32>
    %broadcast_in_dim3A_651 = vector.broadcast %squeeze3A_650 : f32 to vector<16xf32>
    %swap3A_652 = arith.constant 1392 : index
    %swap3A_653 = tpu.vector_load %arg9[%swap3A_652] {strides = array<i32>} : memref<2048xf32, #tpu.memory_space<vmem>>, vector<16xf32>,
    %swap3A_654 = vector.shape_cast %swap3A_653 : vector<16xf32> to vector<16xf32>
    %swap3A_655 = vector.shape_cast %broadcast_in_dim3A_651 : vector<16xf32> to vector<16xf32>
    tpu.vector_store %arg9[%swap3A_652], %swap3A_655 {strides = array<i32>} : memref<2048xf32, #tpu.memory_space<vmem>>, vector<16xf32>,
    %slice3A_656 = vector.extract_strided_slice %mul3A_599 {offsets = [8], sizes = [1], strides = [1]} : vector<16xf32> to vector<1xf32>
    %squeeze3A_657 = vector.extract %slice3A_656[0] : f32 from vector<1xf32>
    %broadcast_in_dim3A_658 = vector.broadcast %squeeze3A_657 : f32 to vector<16xf32>
    %swap3A_659 = arith.constant 1408 : index
    %swap3A_660 = tpu.vector_load %arg9[%swap3A_659] {strides = array<i32>} : memref<2048xf32, #tpu.memory_space<vmem>>, vector<16xf32>,
    %swap3A_661 = vector.shape_cast %swap3A_660 : vector<16xf32> to vector<16xf32>
    %swap3A_662 = vector.shape_cast %broadcast_in_dim3A_658 : vector<16xf32> to vector<16xf32>
    tpu.vector_store %arg9[%swap3A_659], %swap3A_662 {strides = array<i32>} : memref<2048xf32, #tpu.memory_space<vmem>>, vector<16xf32>,
    %slice3A_663 = vector.extract_strided_slice %mul3A_599 {offsets = [9], sizes = [1], strides = [1]} : vector<16xf32> to vector<1xf32>
    %squeeze3A_664 = vector.extract %slice3A_663[0] : f32 from vector<1xf32>
    %broadcast_in_dim3A_665 = vector.broadcast %squeeze3A_664 : f32 to vector<16xf32>
    %swap3A_666 = arith.constant 1424 : index
    %swap3A_667 = tpu.vector_load %arg9[%swap3A_666] {strides = array<i32>} : memref<2048xf32, #tpu.memory_space<vmem>>, vector<16xf32>,
    %swap3A_668 = vector.shape_cast %swap3A_667 : vector<16xf32> to vector<16xf32>
    %swap3A_669 = vector.shape_cast %broadcast_in_dim3A_665 : vector<16xf32> to vector<16xf32>
    tpu.vector_store %arg9[%swap3A_666], %swap3A_669 {strides = array<i32>} : memref<2048xf32, #tpu.memory_space<vmem>>, vector<16xf32>,
    %slice3A_670 = vector.extract_strided_slice %mul3A_599 {offsets = [10], sizes = [1], strides = [1]} : vector<16xf32> to vector<1xf32>
    %squeeze3A_671 = vector.extract %slice3A_670[0] : f32 from vector<1xf32>
    %broadcast_in_dim3A_672 = vector.broadcast %squeeze3A_671 : f32 to vector<16xf32>
    %swap3A_673 = arith.constant 1440 : index
    %swap3A_674 = tpu.vector_load %arg9[%swap3A_673] {strides = array<i32>} : memref<2048xf32, #tpu.memory_space<vmem>>, vector<16xf32>,
    %swap3A_675 = vector.shape_cast %swap3A_674 : vector<16xf32> to vector<16xf32>
    %swap3A_676 = vector.shape_cast %broadcast_in_dim3A_672 : vector<16xf32> to vector<16xf32>
    tpu.vector_store %arg9[%swap3A_673], %swap3A_676 {strides = array<i32>} : memref<2048xf32, #tpu.memory_space<vmem>>, vector<16xf32>,
    %slice3A_677 = vector.extract_strided_slice %mul3A_599 {offsets = [11], sizes = [1], strides = [1]} : vector<16xf32> to vector<1xf32>
    %squeeze3A_678 = vector.extract %slice3A_677[0] : f32 from vector<1xf32>
    %broadcast_in_dim3A_679 = vector.broadcast %squeeze3A_678 : f32 to vector<16xf32>
    %swap3A_680 = arith.constant 1456 : index
    %swap3A_681 = tpu.vector_load %arg9[%swap3A_680] {strides = array<i32>} : memref<2048xf32, #tpu.memory_space<vmem>>, vector<16xf32>,
    %swap3A_682 = vector.shape_cast %swap3A_681 : vector<16xf32> to vector<16xf32>
    %swap3A_683 = vector.shape_cast %broadcast_in_dim3A_679 : vector<16xf32> to vector<16xf32>
    tpu.vector_store %arg9[%swap3A_680], %swap3A_683 {strides = array<i32>} : memref<2048xf32, #tpu.memory_space<vmem>>, vector<16xf32>,
    %slice3A_684 = vector.extract_strided_slice %mul3A_599 {offsets = [12], sizes = [1], strides = [1]} : vector<16xf32> to vector<1xf32>
    %squeeze3A_685 = vector.extract %slice3A_684[0] : f32 from vector<1xf32>
    %broadcast_in_dim3A_686 = vector.broadcast %squeeze3A_685 : f32 to vector<16xf32>
    %swap3A_687 = arith.constant 1472 : index
    %swap3A_688 = tpu.vector_load %arg9[%swap3A_687] {strides = array<i32>} : memref<2048xf32, #tpu.memory_space<vmem>>, vector<16xf32>,
    %swap3A_689 = vector.shape_cast %swap3A_688 : vector<16xf32> to vector<16xf32>
    %swap3A_690 = vector.shape_cast %broadcast_in_dim3A_686 : vector<16xf32> to vector<16xf32>
    tpu.vector_store %arg9[%swap3A_687], %swap3A_690 {strides = array<i32>} : memref<2048xf32, #tpu.memory_space<vmem>>, vector<16xf32>,
    %slice3A_691 = vector.extract_strided_slice %mul3A_599 {offsets = [13], sizes = [1], strides = [1]} : vector<16xf32> to vector<1xf32>
    %squeeze3A_692 = vector.extract %slice3A_691[0] : f32 from vector<1xf32>
    %broadcast_in_dim3A_693 = vector.broadcast %squeeze3A_692 : f32 to vector<16xf32>
    %swap3A_694 = arith.constant 1488 : index
    %swap3A_695 = tpu.vector_load %arg9[%swap3A_694] {strides = array<i32>} : memref<2048xf32, #tpu.memory_space<vmem>>, vector<16xf32>,
    %swap3A_696 = vector.shape_cast %swap3A_695 : vector<16xf32> to vector<16xf32>
    %swap3A_697 = vector.shape_cast %broadcast_in_dim3A_693 : vector<16xf32> to vector<16xf32>
    tpu.vector_store %arg9[%swap3A_694], %swap3A_697 {strides = array<i32>} : memref<2048xf32, #tpu.memory_space<vmem>>, vector<16xf32>,
    %slice3A_698 = vector.extract_strided_slice %mul3A_599 {offsets = [14], sizes = [1], strides = [1]} : vector<16xf32> to vector<1xf32>
    %squeeze3A_699 = vector.extract %slice3A_698[0] : f32 from vector<1xf32>
    %broadcast_in_dim3A_700 = vector.broadcast %squeeze3A_699 : f32 to vector<16xf32>
    %swap3A_701 = arith.constant 1504 : index
    %swap3A_702 = tpu.vector_load %arg9[%swap3A_701] {strides = array<i32>} : memref<2048xf32, #tpu.memory_space<vmem>>, vector<16xf32>,
    %swap3A_703 = vector.shape_cast %swap3A_702 : vector<16xf32> to vector<16xf32>
    %swap3A_704 = vector.shape_cast %broadcast_in_dim3A_700 : vector<16xf32> to vector<16xf32>
    tpu.vector_store %arg9[%swap3A_701], %swap3A_704 {strides = array<i32>} : memref<2048xf32, #tpu.memory_space<vmem>>, vector<16xf32>,
    %slice3A_705 = vector.extract_strided_slice %mul3A_599 {offsets = [15], sizes = [1], strides = [1]} : vector<16xf32> to vector<1xf32>
    %squeeze3A_706 = vector.extract %slice3A_705[0] : f32 from vector<1xf32>
    %broadcast_in_dim3A_707 = vector.broadcast %squeeze3A_706 : f32 to vector<16xf32>
    %swap3A_708 = arith.constant 1520 : index
    %swap3A_709 = tpu.vector_load %arg9[%swap3A_708] {strides = array<i32>} : memref<2048xf32, #tpu.memory_space<vmem>>, vector<16xf32>,
    %swap3A_710 = vector.shape_cast %swap3A_709 : vector<16xf32> to vector<16xf32>
    %swap3A_711 = vector.shape_cast %broadcast_in_dim3A_707 : vector<16xf32> to vector<16xf32>
    tpu.vector_store %arg9[%swap3A_708], %swap3A_711 {strides = array<i32>} : memref<2048xf32, #tpu.memory_space<vmem>>, vector<16xf32>,
    %get3A_712 = arith.constant 96 : index
    %get3A_713 = tpu.vector_load %arg8[%get3A_712] {strides = array<i32>} : memref<128xf32, #tpu.memory_space<vmem>>, vector<16xf32>,
    %get3A_714 = vector.shape_cast %get3A_713 : vector<16xf32> to vector<16xf32>
    %mul3A_715 = vector.broadcast %squeeze3A_10 : f32 to vector<16xf32>
    %mul3A_716 = arith.mulf %get3A_714, %mul3A_715 : vector<16xf32>
    %slice3A_717 = vector.extract_strided_slice %mul3A_716 {offsets = [0], sizes = [1], strides = [1]} : vector<16xf32> to vector<1xf32>
    %squeeze3A_718 = vector.extract %slice3A_717[0] : f32 from vector<1xf32>
    %broadcast_in_dim3A_719 = vector.broadcast %squeeze3A_718 : f32 to vector<16xf32>
    %swap3A_720 = arith.constant 1536 : index
    %swap3A_721 = tpu.vector_load %arg9[%swap3A_720] {strides = array<i32>} : memref<2048xf32, #tpu.memory_space<vmem>>, vector<16xf32>,
    %swap3A_722 = vector.shape_cast %swap3A_721 : vector<16xf32> to vector<16xf32>
    %swap3A_723 = vector.shape_cast %broadcast_in_dim3A_719 : vector<16xf32> to vector<16xf32>
    tpu.vector_store %arg9[%swap3A_720], %swap3A_723 {strides = array<i32>} : memref<2048xf32, #tpu.memory_space<vmem>>, vector<16xf32>,
    %slice3A_724 = vector.extract_strided_slice %mul3A_716 {offsets = [1], sizes = [1], strides = [1]} : vector<16xf32> to vector<1xf32>
    %squeeze3A_725 = vector.extract %slice3A_724[0] : f32 from vector<1xf32>
    %broadcast_in_dim3A_726 = vector.broadcast %squeeze3A_725 : f32 to vector<16xf32>
    %swap3A_727 = arith.constant 1552 : index
    %swap3A_728 = tpu.vector_load %arg9[%swap3A_727] {strides = array<i32>} : memref<2048xf32, #tpu.memory_space<vmem>>, vector<16xf32>,
    %swap3A_729 = vector.shape_cast %swap3A_728 : vector<16xf32> to vector<16xf32>
    %swap3A_730 = vector.shape_cast %broadcast_in_dim3A_726 : vector<16xf32> to vector<16xf32>
    tpu.vector_store %arg9[%swap3A_727], %swap3A_730 {strides = array<i32>} : memref<2048xf32, #tpu.memory_space<vmem>>, vector<16xf32>,
    %slice3A_731 = vector.extract_strided_slice %mul3A_716 {offsets = [2], sizes = [1], strides = [1]} : vector<16xf32> to vector<1xf32>
    %squeeze3A_732 = vector.extract %slice3A_731[0] : f32 from vector<1xf32>
    %broadcast_in_dim3A_733 = vector.broadcast %squeeze3A_732 : f32 to vector<16xf32>
    %swap3A_734 = arith.constant 1568 : index
    %swap3A_735 = tpu.vector_load %arg9[%swap3A_734] {strides = array<i32>} : memref<2048xf32, #tpu.memory_space<vmem>>, vector<16xf32>,
    %swap3A_736 = vector.shape_cast %swap3A_735 : vector<16xf32> to vector<16xf32>
    %swap3A_737 = vector.shape_cast %broadcast_in_dim3A_733 : vector<16xf32> to vector<16xf32>
    tpu.vector_store %arg9[%swap3A_734], %swap3A_737 {strides = array<i32>} : memref<2048xf32, #tpu.memory_space<vmem>>, vector<16xf32>,
    %slice3A_738 = vector.extract_strided_slice %mul3A_716 {offsets = [3], sizes = [1], strides = [1]} : vector<16xf32> to vector<1xf32>
    %squeeze3A_739 = vector.extract %slice3A_738[0] : f32 from vector<1xf32>
    %broadcast_in_dim3A_740 = vector.broadcast %squeeze3A_739 : f32 to vector<16xf32>
    %swap3A_741 = arith.constant 1584 : index
    %swap3A_742 = tpu.vector_load %arg9[%swap3A_741] {strides = array<i32>} : memref<2048xf32, #tpu.memory_space<vmem>>, vector<16xf32>,
    %swap3A_743 = vector.shape_cast %swap3A_742 : vector<16xf32> to vector<16xf32>
    %swap3A_744 = vector.shape_cast %broadcast_in_dim3A_740 : vector<16xf32> to vector<16xf32>
    tpu.vector_store %arg9[%swap3A_741], %swap3A_744 {strides = array<i32>} : memref<2048xf32, #tpu.memory_space<vmem>>, vector<16xf32>,
    %slice3A_745 = vector.extract_strided_slice %mul3A_716 {offsets = [4], sizes = [1], strides = [1]} : vector<16xf32> to vector<1xf32>
    %squeeze3A_746 = vector.extract %slice3A_745[0] : f32 from vector<1xf32>
    %broadcast_in_dim3A_747 = vector.broadcast %squeeze3A_746 : f32 to vector<16xf32>
    %swap3A_748 = arith.constant 1600 : index
    %swap3A_749 = tpu.vector_load %arg9[%swap3A_748] {strides = array<i32>} : memref<2048xf32, #tpu.memory_space<vmem>>, vector<16xf32>,
    %swap3A_750 = vector.shape_cast %swap3A_749 : vector<16xf32> to vector<16xf32>
    %swap3A_751 = vector.shape_cast %broadcast_in_dim3A_747 : vector<16xf32> to vector<16xf32>
    tpu.vector_store %arg9[%swap3A_748], %swap3A_751 {strides = array<i32>} : memref<2048xf32, #tpu.memory_space<vmem>>, vector<16xf32>,
    %slice3A_752 = vector.extract_strided_slice %mul3A_716 {offsets = [5], sizes = [1], strides = [1]} : vector<16xf32> to vector<1xf32>
    %squeeze3A_753 = vector.extract %slice3A_752[0] : f32 from vector<1xf32>
    %broadcast_in_dim3A_754 = vector.broadcast %squeeze3A_753 : f32 to vector<16xf32>
    %swap3A_755 = arith.constant 1616 : index
    %swap3A_756 = tpu.vector_load %arg9[%swap3A_755] {strides = array<i32>} : memref<2048xf32, #tpu.memory_space<vmem>>, vector<16xf32>,
    %swap3A_757 = vector.shape_cast %swap3A_756 : vector<16xf32> to vector<16xf32>
    %swap3A_758 = vector.shape_cast %broadcast_in_dim3A_754 : vector<16xf32> to vector<16xf32>
    tpu.vector_store %arg9[%swap3A_755], %swap3A_758 {strides = array<i32>} : memref<2048xf32, #tpu.memory_space<vmem>>, vector<16xf32>,
    %slice3A_759 = vector.extract_strided_slice %mul3A_716 {offsets = [6], sizes = [1], strides = [1]} : vector<16xf32> to vector<1xf32>
    %squeeze3A_760 = vector.extract %slice3A_759[0] : f32 from vector<1xf32>
    %broadcast_in_dim3A_761 = vector.broadcast %squeeze3A_760 : f32 to vector<16xf32>
    %swap3A_762 = arith.constant 1632 : index
    %swap3A_763 = tpu.vector_load %arg9[%swap3A_762] {strides = array<i32>} : memref<2048xf32, #tpu.memory_space<vmem>>, vector<16xf32>,
    %swap3A_764 = vector.shape_cast %swap3A_763 : vector<16xf32> to vector<16xf32>
    %swap3A_765 = vector.shape_cast %broadcast_in_dim3A_761 : vector<16xf32> to vector<16xf32>
    tpu.vector_store %arg9[%swap3A_762], %swap3A_765 {strides = array<i32>} : memref<2048xf32, #tpu.memory_space<vmem>>, vector<16xf32>,
    %slice3A_766 = vector.extract_strided_slice %mul3A_716 {offsets = [7], sizes = [1], strides = [1]} : vector<16xf32> to vector<1xf32>
    %squeeze3A_767 = vector.extract %slice3A_766[0] : f32 from vector<1xf32>
    %broadcast_in_dim3A_768 = vector.broadcast %squeeze3A_767 : f32 to vector<16xf32>
    %swap3A_769 = arith.constant 1648 : index
    %swap3A_770 = tpu.vector_load %arg9[%swap3A_769] {strides = array<i32>} : memref<2048xf32, #tpu.memory_space<vmem>>, vector<16xf32>,
    %swap3A_771 = vector.shape_cast %swap3A_770 : vector<16xf32> to vector<16xf32>
    %swap3A_772 = vector.shape_cast %broadcast_in_dim3A_768 : vector<16xf32> to vector<16xf32>
    tpu.vector_store %arg9[%swap3A_769], %swap3A_772 {strides = array<i32>} : memref<2048xf32, #tpu.memory_space<vmem>>, vector<16xf32>,
    %slice3A_773 = vector.extract_strided_slice %mul3A_716 {offsets = [8], sizes = [1], strides = [1]} : vector<16xf32> to vector<1xf32>
    %squeeze3A_774 = vector.extract %slice3A_773[0] : f32 from vector<1xf32>
    %broadcast_in_dim3A_775 = vector.broadcast %squeeze3A_774 : f32 to vector<16xf32>
    %swap3A_776 = arith.constant 1664 : index
    %swap3A_777 = tpu.vector_load %arg9[%swap3A_776] {strides = array<i32>} : memref<2048xf32, #tpu.memory_space<vmem>>, vector<16xf32>,
    %swap3A_778 = vector.shape_cast %swap3A_777 : vector<16xf32> to vector<16xf32>
    %swap3A_779 = vector.shape_cast %broadcast_in_dim3A_775 : vector<16xf32> to vector<16xf32>
    tpu.vector_store %arg9[%swap3A_776], %swap3A_779 {strides = array<i32>} : memref<2048xf32, #tpu.memory_space<vmem>>, vector<16xf32>,
    %slice3A_780 = vector.extract_strided_slice %mul3A_716 {offsets = [9], sizes = [1], strides = [1]} : vector<16xf32> to vector<1xf32>
    %squeeze3A_781 = vector.extract %slice3A_780[0] : f32 from vector<1xf32>
    %broadcast_in_dim3A_782 = vector.broadcast %squeeze3A_781 : f32 to vector<16xf32>
    %swap3A_783 = arith.constant 1680 : index
    %swap3A_784 = tpu.vector_load %arg9[%swap3A_783] {strides = array<i32>} : memref<2048xf32, #tpu.memory_space<vmem>>, vector<16xf32>,
    %swap3A_785 = vector.shape_cast %swap3A_784 : vector<16xf32> to vector<16xf32>
    %swap3A_786 = vector.shape_cast %broadcast_in_dim3A_782 : vector<16xf32> to vector<16xf32>
    tpu.vector_store %arg9[%swap3A_783], %swap3A_786 {strides = array<i32>} : memref<2048xf32, #tpu.memory_space<vmem>>, vector<16xf32>,
    %slice3A_787 = vector.extract_strided_slice %mul3A_716 {offsets = [10], sizes = [1], strides = [1]} : vector<16xf32> to vector<1xf32>
    %squeeze3A_788 = vector.extract %slice3A_787[0] : f32 from vector<1xf32>
    %broadcast_in_dim3A_789 = vector.broadcast %squeeze3A_788 : f32 to vector<16xf32>
    %swap3A_790 = arith.constant 1696 : index
    %swap3A_791 = tpu.vector_load %arg9[%swap3A_790] {strides = array<i32>} : memref<2048xf32, #tpu.memory_space<vmem>>, vector<16xf32>,
    %swap3A_792 = vector.shape_cast %swap3A_791 : vector<16xf32> to vector<16xf32>
    %swap3A_793 = vector.shape_cast %broadcast_in_dim3A_789 : vector<16xf32> to vector<16xf32>
    tpu.vector_store %arg9[%swap3A_790], %swap3A_793 {strides = array<i32>} : memref<2048xf32, #tpu.memory_space<vmem>>, vector<16xf32>,
    %slice3A_794 = vector.extract_strided_slice %mul3A_716 {offsets = [11], sizes = [1], strides = [1]} : vector<16xf32> to vector<1xf32>
    %squeeze3A_795 = vector.extract %slice3A_794[0] : f32 from vector<1xf32>
    %broadcast_in_dim3A_796 = vector.broadcast %squeeze3A_795 : f32 to vector<16xf32>
    %swap3A_797 = arith.constant 1712 : index
    %swap3A_798 = tpu.vector_load %arg9[%swap3A_797] {strides = array<i32>} : memref<2048xf32, #tpu.memory_space<vmem>>, vector<16xf32>,
    %swap3A_799 = vector.shape_cast %swap3A_798 : vector<16xf32> to vector<16xf32>
    %swap3A_800 = vector.shape_cast %broadcast_in_dim3A_796 : vector<16xf32> to vector<16xf32>
    tpu.vector_store %arg9[%swap3A_797], %swap3A_800 {strides = array<i32>} : memref<2048xf32, #tpu.memory_space<vmem>>, vector<16xf32>,
    %slice3A_801 = vector.extract_strided_slice %mul3A_716 {offsets = [12], sizes = [1], strides = [1]} : vector<16xf32> to vector<1xf32>
    %squeeze3A_802 = vector.extract %slice3A_801[0] : f32 from vector<1xf32>
    %broadcast_in_dim3A_803 = vector.broadcast %squeeze3A_802 : f32 to vector<16xf32>
    %swap3A_804 = arith.constant 1728 : index
    %swap3A_805 = tpu.vector_load %arg9[%swap3A_804] {strides = array<i32>} : memref<2048xf32, #tpu.memory_space<vmem>>, vector<16xf32>,
    %swap3A_806 = vector.shape_cast %swap3A_805 : vector<16xf32> to vector<16xf32>
    %swap3A_807 = vector.shape_cast %broadcast_in_dim3A_803 : vector<16xf32> to vector<16xf32>
    tpu.vector_store %arg9[%swap3A_804], %swap3A_807 {strides = array<i32>} : memref<2048xf32, #tpu.memory_space<vmem>>, vector<16xf32>,
    %slice3A_808 = vector.extract_strided_slice %mul3A_716 {offsets = [13], sizes = [1], strides = [1]} : vector<16xf32> to vector<1xf32>
    %squeeze3A_809 = vector.extract %slice3A_808[0] : f32 from vector<1xf32>
    %broadcast_in_dim3A_810 = vector.broadcast %squeeze3A_809 : f32 to vector<16xf32>
    %swap3A_811 = arith.constant 1744 : index
    %swap3A_812 = tpu.vector_load %arg9[%swap3A_811] {strides = array<i32>} : memref<2048xf32, #tpu.memory_space<vmem>>, vector<16xf32>,
    %swap3A_813 = vector.shape_cast %swap3A_812 : vector<16xf32> to vector<16xf32>
    %swap3A_814 = vector.shape_cast %broadcast_in_dim3A_810 : vector<16xf32> to vector<16xf32>
    tpu.vector_store %arg9[%swap3A_811], %swap3A_814 {strides = array<i32>} : memref<2048xf32, #tpu.memory_space<vmem>>, vector<16xf32>,
    %slice3A_815 = vector.extract_strided_slice %mul3A_716 {offsets = [14], sizes = [1], strides = [1]} : vector<16xf32> to vector<1xf32>
    %squeeze3A_816 = vector.extract %slice3A_815[0] : f32 from vector<1xf32>
    %broadcast_in_dim3A_817 = vector.broadcast %squeeze3A_816 : f32 to vector<16xf32>
    %swap3A_818 = arith.constant 1760 : index
    %swap3A_819 = tpu.vector_load %arg9[%swap3A_818] {strides = array<i32>} : memref<2048xf32, #tpu.memory_space<vmem>>, vector<16xf32>,
    %swap3A_820 = vector.shape_cast %swap3A_819 : vector<16xf32> to vector<16xf32>
    %swap3A_821 = vector.shape_cast %broadcast_in_dim3A_817 : vector<16xf32> to vector<16xf32>
    tpu.vector_store %arg9[%swap3A_818], %swap3A_821 {strides = array<i32>} : memref<2048xf32, #tpu.memory_space<vmem>>, vector<16xf32>,
    %slice3A_822 = vector.extract_strided_slice %mul3A_716 {offsets = [15], sizes = [1], strides = [1]} : vector<16xf32> to vector<1xf32>
    %squeeze3A_823 = vector.extract %slice3A_822[0] : f32 from vector<1xf32>
    %broadcast_in_dim3A_824 = vector.broadcast %squeeze3A_823 : f32 to vector<16xf32>
    %swap3A_825 = arith.constant 1776 : index
    %swap3A_826 = tpu.vector_load %arg9[%swap3A_825] {strides = array<i32>} : memref<2048xf32, #tpu.memory_space<vmem>>, vector<16xf32>,
    %swap3A_827 = vector.shape_cast %swap3A_826 : vector<16xf32> to vector<16xf32>
    %swap3A_828 = vector.shape_cast %broadcast_in_dim3A_824 : vector<16xf32> to vector<16xf32>
    tpu.vector_store %arg9[%swap3A_825], %swap3A_828 {strides = array<i32>} : memref<2048xf32, #tpu.memory_space<vmem>>, vector<16xf32>,
    %get3A_829 = arith.constant 112 : index
    %get3A_830 = tpu.vector_load %arg8[%get3A_829] {strides = array<i32>} : memref<128xf32, #tpu.memory_space<vmem>>, vector<16xf32>,
    %get3A_831 = vector.shape_cast %get3A_830 : vector<16xf32> to vector<16xf32>
    %mul3A_832 = vector.broadcast %squeeze3A_10 : f32 to vector<16xf32>
    %mul3A_833 = arith.mulf %get3A_831, %mul3A_832 : vector<16xf32>
    %slice3A_834 = vector.extract_strided_slice %mul3A_833 {offsets = [0], sizes = [1], strides = [1]} : vector<16xf32> to vector<1xf32>
    %squeeze3A_835 = vector.extract %slice3A_834[0] : f32 from vector<1xf32>
    %broadcast_in_dim3A_836 = vector.broadcast %squeeze3A_835 : f32 to vector<16xf32>
    %swap3A_837 = arith.constant 1792 : index
    %swap3A_838 = tpu.vector_load %arg9[%swap3A_837] {strides = array<i32>} : memref<2048xf32, #tpu.memory_space<vmem>>, vector<16xf32>,
    %swap3A_839 = vector.shape_cast %swap3A_838 : vector<16xf32> to vector<16xf32>
    %swap3A_840 = vector.shape_cast %broadcast_in_dim3A_836 : vector<16xf32> to vector<16xf32>
    tpu.vector_store %arg9[%swap3A_837], %swap3A_840 {strides = array<i32>} : memref<2048xf32, #tpu.memory_space<vmem>>, vector<16xf32>,
    %slice3A_841 = vector.extract_strided_slice %mul3A_833 {offsets = [1], sizes = [1], strides = [1]} : vector<16xf32> to vector<1xf32>
    %squeeze3A_842 = vector.extract %slice3A_841[0] : f32 from vector<1xf32>
    %broadcast_in_dim3A_843 = vector.broadcast %squeeze3A_842 : f32 to vector<16xf32>
    %swap3A_844 = arith.constant 1808 : index
    %swap3A_845 = tpu.vector_load %arg9[%swap3A_844] {strides = array<i32>} : memref<2048xf32, #tpu.memory_space<vmem>>, vector<16xf32>,
    %swap3A_846 = vector.shape_cast %swap3A_845 : vector<16xf32> to vector<16xf32>
    %swap3A_847 = vector.shape_cast %broadcast_in_dim3A_843 : vector<16xf32> to vector<16xf32>
    tpu.vector_store %arg9[%swap3A_844], %swap3A_847 {strides = array<i32>} : memref<2048xf32, #tpu.memory_space<vmem>>, vector<16xf32>,
    %slice3A_848 = vector.extract_strided_slice %mul3A_833 {offsets = [2], sizes = [1], strides = [1]} : vector<16xf32> to vector<1xf32>
    %squeeze3A_849 = vector.extract %slice3A_848[0] : f32 from vector<1xf32>
    %broadcast_in_dim3A_850 = vector.broadcast %squeeze3A_849 : f32 to vector<16xf32>
    %swap3A_851 = arith.constant 1824 : index
    %swap3A_852 = tpu.vector_load %arg9[%swap3A_851] {strides = array<i32>} : memref<2048xf32, #tpu.memory_space<vmem>>, vector<16xf32>,
    %swap3A_853 = vector.shape_cast %swap3A_852 : vector<16xf32> to vector<16xf32>
    %swap3A_854 = vector.shape_cast %broadcast_in_dim3A_850 : vector<16xf32> to vector<16xf32>
    tpu.vector_store %arg9[%swap3A_851], %swap3A_854 {strides = array<i32>} : memref<2048xf32, #tpu.memory_space<vmem>>, vector<16xf32>,
    %slice3A_855 = vector.extract_strided_slice %mul3A_833 {offsets = [3], sizes = [1], strides = [1]} : vector<16xf32> to vector<1xf32>
    %squeeze3A_856 = vector.extract %slice3A_855[0] : f32 from vector<1xf32>
    %broadcast_in_dim3A_857 = vector.broadcast %squeeze3A_856 : f32 to vector<16xf32>
    %swap3A_858 = arith.constant 1840 : index
    %swap3A_859 = tpu.vector_load %arg9[%swap3A_858] {strides = array<i32>} : memref<2048xf32, #tpu.memory_space<vmem>>, vector<16xf32>,
    %swap3A_860 = vector.shape_cast %swap3A_859 : vector<16xf32> to vector<16xf32>
    %swap3A_861 = vector.shape_cast %broadcast_in_dim3A_857 : vector<16xf32> to vector<16xf32>
    tpu.vector_store %arg9[%swap3A_858], %swap3A_861 {strides = array<i32>} : memref<2048xf32, #tpu.memory_space<vmem>>, vector<16xf32>,
    %slice3A_862 = vector.extract_strided_slice %mul3A_833 {offsets = [4], sizes = [1], strides = [1]} : vector<16xf32> to vector<1xf32>
    %squeeze3A_863 = vector.extract %slice3A_862[0] : f32 from vector<1xf32>
    %broadcast_in_dim3A_864 = vector.broadcast %squeeze3A_863 : f32 to vector<16xf32>
    %swap3A_865 = arith.constant 1856 : index
    %swap3A_866 = tpu.vector_load %arg9[%swap3A_865] {strides = array<i32>} : memref<2048xf32, #tpu.memory_space<vmem>>, vector<16xf32>,
    %swap3A_867 = vector.shape_cast %swap3A_866 : vector<16xf32> to vector<16xf32>
    %swap3A_868 = vector.shape_cast %broadcast_in_dim3A_864 : vector<16xf32> to vector<16xf32>
    tpu.vector_store %arg9[%swap3A_865], %swap3A_868 {strides = array<i32>} : memref<2048xf32, #tpu.memory_space<vmem>>, vector<16xf32>,
    %slice3A_869 = vector.extract_strided_slice %mul3A_833 {offsets = [5], sizes = [1], strides = [1]} : vector<16xf32> to vector<1xf32>
    %squeeze3A_870 = vector.extract %slice3A_869[0] : f32 from vector<1xf32>
    %broadcast_in_dim3A_871 = vector.broadcast %squeeze3A_870 : f32 to vector<16xf32>
    %swap3A_872 = arith.constant 1872 : index
    %swap3A_873 = tpu.vector_load %arg9[%swap3A_872] {strides = array<i32>} : memref<2048xf32, #tpu.memory_space<vmem>>, vector<16xf32>,
    %swap3A_874 = vector.shape_cast %swap3A_873 : vector<16xf32> to vector<16xf32>
    %swap3A_875 = vector.shape_cast %broadcast_in_dim3A_871 : vector<16xf32> to vector<16xf32>
    tpu.vector_store %arg9[%swap3A_872], %swap3A_875 {strides = array<i32>} : memref<2048xf32, #tpu.memory_space<vmem>>, vector<16xf32>,
    %slice3A_876 = vector.extract_strided_slice %mul3A_833 {offsets = [6], sizes = [1], strides = [1]} : vector<16xf32> to vector<1xf32>
    %squeeze3A_877 = vector.extract %slice3A_876[0] : f32 from vector<1xf32>
    %broadcast_in_dim3A_878 = vector.broadcast %squeeze3A_877 : f32 to vector<16xf32>
    %swap3A_879 = arith.constant 1888 : index
    %swap3A_880 = tpu.vector_load %arg9[%swap3A_879] {strides = array<i32>} : memref<2048xf32, #tpu.memory_space<vmem>>, vector<16xf32>,
    %swap3A_881 = vector.shape_cast %swap3A_880 : vector<16xf32> to vector<16xf32>
    %swap3A_882 = vector.shape_cast %broadcast_in_dim3A_878 : vector<16xf32> to vector<16xf32>
    tpu.vector_store %arg9[%swap3A_879], %swap3A_882 {strides = array<i32>} : memref<2048xf32, #tpu.memory_space<vmem>>, vector<16xf32>,
    %slice3A_883 = vector.extract_strided_slice %mul3A_833 {offsets = [7], sizes = [1], strides = [1]} : vector<16xf32> to vector<1xf32>
    %squeeze3A_884 = vector.extract %slice3A_883[0] : f32 from vector<1xf32>
    %broadcast_in_dim3A_885 = vector.broadcast %squeeze3A_884 : f32 to vector<16xf32>
    %swap3A_886 = arith.constant 1904 : index
    %swap3A_887 = tpu.vector_load %arg9[%swap3A_886] {strides = array<i32>} : memref<2048xf32, #tpu.memory_space<vmem>>, vector<16xf32>,
    %swap3A_888 = vector.shape_cast %swap3A_887 : vector<16xf32> to vector<16xf32>
    %swap3A_889 = vector.shape_cast %broadcast_in_dim3A_885 : vector<16xf32> to vector<16xf32>
    tpu.vector_store %arg9[%swap3A_886], %swap3A_889 {strides = array<i32>} : memref<2048xf32, #tpu.memory_space<vmem>>, vector<16xf32>,
    %slice3A_890 = vector.extract_strided_slice %mul3A_833 {offsets = [8], sizes = [1], strides = [1]} : vector<16xf32> to vector<1xf32>
    %squeeze3A_891 = vector.extract %slice3A_890[0] : f32 from vector<1xf32>
    %broadcast_in_dim3A_892 = vector.broadcast %squeeze3A_891 : f32 to vector<16xf32>
    %swap3A_893 = arith.constant 1920 : index
    %swap3A_894 = tpu.vector_load %arg9[%swap3A_893] {strides = array<i32>} : memref<2048xf32, #tpu.memory_space<vmem>>, vector<16xf32>,
    %swap3A_895 = vector.shape_cast %swap3A_894 : vector<16xf32> to vector<16xf32>
    %swap3A_896 = vector.shape_cast %broadcast_in_dim3A_892 : vector<16xf32> to vector<16xf32>
    tpu.vector_store %arg9[%swap3A_893], %swap3A_896 {strides = array<i32>} : memref<2048xf32, #tpu.memory_space<vmem>>, vector<16xf32>,
    %slice3A_897 = vector.extract_strided_slice %mul3A_833 {offsets = [9], sizes = [1], strides = [1]} : vector<16xf32> to vector<1xf32>
    %squeeze3A_898 = vector.extract %slice3A_897[0] : f32 from vector<1xf32>
    %broadcast_in_dim3A_899 = vector.broadcast %squeeze3A_898 : f32 to vector<16xf32>
    %swap3A_900 = arith.constant 1936 : index
    %swap3A_901 = tpu.vector_load %arg9[%swap3A_900] {strides = array<i32>} : memref<2048xf32, #tpu.memory_space<vmem>>, vector<16xf32>,
    %swap3A_902 = vector.shape_cast %swap3A_901 : vector<16xf32> to vector<16xf32>
    %swap3A_903 = vector.shape_cast %broadcast_in_dim3A_899 : vector<16xf32> to vector<16xf32>
    tpu.vector_store %arg9[%swap3A_900], %swap3A_903 {strides = array<i32>} : memref<2048xf32, #tpu.memory_space<vmem>>, vector<16xf32>,
    %slice3A_904 = vector.extract_strided_slice %mul3A_833 {offsets = [10], sizes = [1], strides = [1]} : vector<16xf32> to vector<1xf32>
    %squeeze3A_905 = vector.extract %slice3A_904[0] : f32 from vector<1xf32>
    %broadcast_in_dim3A_906 = vector.broadcast %squeeze3A_905 : f32 to vector<16xf32>
    %swap3A_907 = arith.constant 1952 : index
    %swap3A_908 = tpu.vector_load %arg9[%swap3A_907] {strides = array<i32>} : memref<2048xf32, #tpu.memory_space<vmem>>, vector<16xf32>,
    %swap3A_909 = vector.shape_cast %swap3A_908 : vector<16xf32> to vector<16xf32>
    %swap3A_910 = vector.shape_cast %broadcast_in_dim3A_906 : vector<16xf32> to vector<16xf32>
    tpu.vector_store %arg9[%swap3A_907], %swap3A_910 {strides = array<i32>} : memref<2048xf32, #tpu.memory_space<vmem>>, vector<16xf32>,
    %slice3A_911 = vector.extract_strided_slice %mul3A_833 {offsets = [11], sizes = [1], strides = [1]} : vector<16xf32> to vector<1xf32>
    %squeeze3A_912 = vector.extract %slice3A_911[0] : f32 from vector<1xf32>
    %broadcast_in_dim3A_913 = vector.broadcast %squeeze3A_912 : f32 to vector<16xf32>
    %swap3A_914 = arith.constant 1968 : index
    %swap3A_915 = tpu.vector_load %arg9[%swap3A_914] {strides = array<i32>} : memref<2048xf32, #tpu.memory_space<vmem>>, vector<16xf32>,
    %swap3A_916 = vector.shape_cast %swap3A_915 : vector<16xf32> to vector<16xf32>
    %swap3A_917 = vector.shape_cast %broadcast_in_dim3A_913 : vector<16xf32> to vector<16xf32>
    tpu.vector_store %arg9[%swap3A_914], %swap3A_917 {strides = array<i32>} : memref<2048xf32, #tpu.memory_space<vmem>>, vector<16xf32>,
    %slice3A_918 = vector.extract_strided_slice %mul3A_833 {offsets = [12], sizes = [1], strides = [1]} : vector<16xf32> to vector<1xf32>
    %squeeze3A_919 = vector.extract %slice3A_918[0] : f32 from vector<1xf32>
    %broadcast_in_dim3A_920 = vector.broadcast %squeeze3A_919 : f32 to vector<16xf32>
    %swap3A_921 = arith.constant 1984 : index
    %swap3A_922 = tpu.vector_load %arg9[%swap3A_921] {strides = array<i32>} : memref<2048xf32, #tpu.memory_space<vmem>>, vector<16xf32>,
    %swap3A_923 = vector.shape_cast %swap3A_922 : vector<16xf32> to vector<16xf32>
    %swap3A_924 = vector.shape_cast %broadcast_in_dim3A_920 : vector<16xf32> to vector<16xf32>
    tpu.vector_store %arg9[%swap3A_921], %swap3A_924 {strides = array<i32>} : memref<2048xf32, #tpu.memory_space<vmem>>, vector<16xf32>,
    %slice3A_925 = vector.extract_strided_slice %mul3A_833 {offsets = [13], sizes = [1], strides = [1]} : vector<16xf32> to vector<1xf32>
    %squeeze3A_926 = vector.extract %slice3A_925[0] : f32 from vector<1xf32>
    %broadcast_in_dim3A_927 = vector.broadcast %squeeze3A_926 : f32 to vector<16xf32>
    %swap3A_928 = arith.constant 2000 : index
    %swap3A_929 = tpu.vector_load %arg9[%swap3A_928] {strides = array<i32>} : memref<2048xf32, #tpu.memory_space<vmem>>, vector<16xf32>,
    %swap3A_930 = vector.shape_cast %swap3A_929 : vector<16xf32> to vector<16xf32>
    %swap3A_931 = vector.shape_cast %broadcast_in_dim3A_927 : vector<16xf32> to vector<16xf32>
    tpu.vector_store %arg9[%swap3A_928], %swap3A_931 {strides = array<i32>} : memref<2048xf32, #tpu.memory_space<vmem>>, vector<16xf32>,
    %slice3A_932 = vector.extract_strided_slice %mul3A_833 {offsets = [14], sizes = [1], strides = [1]} : vector<16xf32> to vector<1xf32>
    %squeeze3A_933 = vector.extract %slice3A_932[0] : f32 from vector<1xf32>
    %broadcast_in_dim3A_934 = vector.broadcast %squeeze3A_933 : f32 to vector<16xf32>
    %swap3A_935 = arith.constant 2016 : index
    %swap3A_936 = tpu.vector_load %arg9[%swap3A_935] {strides = array<i32>} : memref<2048xf32, #tpu.memory_space<vmem>>, vector<16xf32>,
    %swap3A_937 = vector.shape_cast %swap3A_936 : vector<16xf32> to vector<16xf32>
    %swap3A_938 = vector.shape_cast %broadcast_in_dim3A_934 : vector<16xf32> to vector<16xf32>
    tpu.vector_store %arg9[%swap3A_935], %swap3A_938 {strides = array<i32>} : memref<2048xf32, #tpu.memory_space<vmem>>, vector<16xf32>,
    %slice3A_939 = vector.extract_strided_slice %mul3A_833 {offsets = [15], sizes = [1], strides = [1]} : vector<16xf32> to vector<1xf32>
    %squeeze3A_940 = vector.extract %slice3A_939[0] : f32 from vector<1xf32>
    %broadcast_in_dim3A_941 = vector.broadcast %squeeze3A_940 : f32 to vector<16xf32>
    %swap3A_942 = arith.constant 2032 : index
    %swap3A_943 = tpu.vector_load %arg9[%swap3A_942] {strides = array<i32>} : memref<2048xf32, #tpu.memory_space<vmem>>, vector<16xf32>,
    %swap3A_944 = vector.shape_cast %swap3A_943 : vector<16xf32> to vector<16xf32>
    %swap3A_945 = vector.shape_cast %broadcast_in_dim3A_941 : vector<16xf32> to vector<16xf32>
    tpu.vector_store %arg9[%swap3A_942], %swap3A_945 {strides = array<i32>} : memref<2048xf32, #tpu.memory_space<vmem>>, vector<16xf32>,
    %dma_start3A = tpu.memref_slice %arg5[%mul3A_2] : memref<33554432xf32, #tpu.memory_space<hbm>> -> memref<16384xf32, #tpu.memory_space<hbm>>
    %dma_start3A_946 = tpu.memref_slice %arg5[%mul3A_2] : memref<33554432xf32, #tpu.memory_space<hbm>> -> memref<16384xf32, #tpu.memory_space<hbm>>
    tpu.enqueue_dma source(%dma_start3A_946 : memref<16384xf32, #tpu.memory_space<hbm>>) target(%arg10 : memref<16384xf32, #tpu.memory_space<vmem>>) target_semaphore(%arg14 : memref<!tpu.dma_semaphore, #tpu.memory_space<semaphore_mem>>)
    %mul3A_947 = arith.constant 2048 : i32
    %mul3A_948 = arith.muli %add3A, %mul3A_947 : i32
    "tpu.region"() ({
      %run_scoped3A = tpu.sem_alloc : memref<!tpu.dma_semaphore, #tpu.memory_space<semaphore_mem>>
      %dma_start3A_960 = arith.constant 0 : i32
      %dma_start3A_961 = tpu.memref_slice %arg11[%dma_start3A_960] : memref<16384xf32, #tpu.memory_space<vmem>> -> memref<2048xf32, #tpu.memory_space<vmem>>
      %dma_start3A_962 = tpu.memref_slice %arg3[%mul3A_948] : memref<65536xf32, #tpu.memory_space<hbm>> -> memref<2048xf32, #tpu.memory_space<hbm>>
      %dma_start3A_963 = arith.constant 0 : i32
      %dma_start3A_964 = tpu.memref_slice %arg11[%dma_start3A_963] : memref<16384xf32, #tpu.memory_space<vmem>> -> memref<2048xf32, #tpu.memory_space<vmem>>
      %dma_start3A_965 = tpu.memref_slice %arg3[%mul3A_948] : memref<65536xf32, #tpu.memory_space<hbm>> -> memref<2048xf32, #tpu.memory_space<hbm>>
      tpu.enqueue_dma source(%dma_start3A_965 : memref<2048xf32, #tpu.memory_space<hbm>>) target(%dma_start3A_964 : memref<2048xf32, #tpu.memory_space<vmem>>) target_semaphore(%run_scoped3A : memref<!tpu.dma_semaphore, #tpu.memory_space<semaphore_mem>>)
      %dma_wait3A_966 = arith.constant 0 : i32
      %dma_wait3A_967 = tpu.memref_slice %arg11[%dma_wait3A_966] : memref<16384xf32, #tpu.memory_space<vmem>> -> memref<2048xf32, #tpu.memory_space<vmem>>
      %dma_wait3A_968 = tpu.memref_slice %arg3[%mul3A_948] : memref<65536xf32, #tpu.memory_space<hbm>> -> memref<2048xf32, #tpu.memory_space<hbm>>
      %dma_wait3A_969 = arith.constant 0 : i32
      %dma_wait3A_970 = tpu.memref_slice %arg11[%dma_wait3A_969] : memref<16384xf32, #tpu.memory_space<vmem>> -> memref<2048xf32, #tpu.memory_space<vmem>>
      %dma_wait3A_971 = tpu.memref_slice %arg3[%mul3A_948] : memref<65536xf32, #tpu.memory_space<hbm>> -> memref<2048xf32, #tpu.memory_space<hbm>>
      tpu.wait_dma2 semaphore(%run_scoped3A : memref<!tpu.dma_semaphore, #tpu.memory_space<semaphore_mem>>) src(%dma_wait3A_971 : memref<2048xf32, #tpu.memory_space<hbm>>) dst(%dma_wait3A_970 : memref<2048xf32, #tpu.memory_space<vmem>>)
      tpu.yield
    }) : () -> ()
    %parallel_loop3A = arith.constant 0 : i32
    %parallel_loop3A_949 = arith.constant 2048 : i32
    %parallel_loop3A_950 = arith.constant 16 : i32
    scf.for %parallel_loop3A_960 = %parallel_loop3A to %parallel_loop3A_949 step %parallel_loop3A_950  : i32 {
      %parallel_loop3A_961 = arith.index_cast %parallel_loop3A_960 : i32 to index
      %parallel_loop3A_962 = tpu.vector_load %arg11[%parallel_loop3A_961] {strides = array<i32>} : memref<16384xf32, #tpu.memory_space<vmem>>, vector<16xf32>,
      %parallel_loop3A_963 = vector.shape_cast %parallel_loop3A_962 : vector<16xf32> to vector<16xf32>
      %parallel_loop3A_964 = arith.mulf %parallel_loop3A_963, %broadcast_in_dim3A : vector<16xf32>
      %parallel_loop3A_965 = arith.index_cast %parallel_loop3A_960 : i32 to index
      %parallel_loop3A_966 = tpu.vector_load %arg13[%parallel_loop3A_965] {strides = array<i32>} : memref<16384xf32, #tpu.memory_space<vmem>>, vector<16xf32>,
      %parallel_loop3A_967 = vector.shape_cast %parallel_loop3A_966 : vector<16xf32> to vector<16xf32>
      %parallel_loop3A_968 = vector.shape_cast %parallel_loop3A_964 : vector<16xf32> to vector<16xf32>
      tpu.vector_store %arg13[%parallel_loop3A_965], %parallel_loop3A_968 {strides = array<i32>} : memref<16384xf32, #tpu.memory_space<vmem>>, vector<16xf32>,
    } {sc.loop_unroll_factor = 16 : i64, sc.parallel_access}
    %mul3A_951 = arith.constant 2048 : i32
    %mul3A_952 = arith.muli %add3A, %mul3A_951 : i32
    "tpu.region"() ({
      %run_scoped3A = tpu.sem_alloc : memref<!tpu.dma_semaphore, #tpu.memory_space<semaphore_mem>>
      %dma_start3A_960 = arith.constant 0 : i32
      %dma_start3A_961 = tpu.memref_slice %arg13[%dma_start3A_960] : memref<16384xf32, #tpu.memory_space<vmem>> -> memref<2048xf32, #tpu.memory_space<vmem>>
      %dma_start3A_962 = tpu.memref_slice %arg6[%mul3A_952] : memref<33619968xf32, #tpu.memory_space<hbm>> -> memref<2048xf32, #tpu.memory_space<hbm>>
      %dma_start3A_963 = tpu.memref_slice %arg6[%mul3A_952] : memref<33619968xf32, #tpu.memory_space<hbm>> -> memref<2048xf32, #tpu.memory_space<hbm>>
      %dma_start3A_964 = arith.constant 0 : i32
      %dma_start3A_965 = tpu.memref_slice %arg13[%dma_start3A_964] : memref<16384xf32, #tpu.memory_space<vmem>> -> memref<2048xf32, #tpu.memory_space<vmem>>
      tpu.enqueue_dma source(%dma_start3A_965 : memref<2048xf32, #tpu.memory_space<vmem>>) target(%dma_start3A_963 : memref<2048xf32, #tpu.memory_space<hbm>>) target_semaphore(%run_scoped3A : memref<!tpu.dma_semaphore, #tpu.memory_space<semaphore_mem>>)
      %dma_wait3A_966 = arith.constant 0 : i32
      %dma_wait3A_967 = tpu.memref_slice %arg13[%dma_wait3A_966] : memref<16384xf32, #tpu.memory_space<vmem>> -> memref<2048xf32, #tpu.memory_space<vmem>>
      %dma_wait3A_968 = tpu.memref_slice %arg6[%mul3A_952] : memref<33619968xf32, #tpu.memory_space<hbm>> -> memref<2048xf32, #tpu.memory_space<hbm>>
      %dma_wait3A_969 = tpu.memref_slice %arg6[%mul3A_952] : memref<33619968xf32, #tpu.memory_space<hbm>> -> memref<2048xf32, #tpu.memory_space<hbm>>
      %dma_wait3A_970 = arith.constant 0 : i32
      %dma_wait3A_971 = tpu.memref_slice %arg13[%dma_wait3A_970] : memref<16384xf32, #tpu.memory_space<vmem>> -> memref<2048xf32, #tpu.memory_space<vmem>>
      tpu.wait_dma2 semaphore(%run_scoped3A : memref<!tpu.dma_semaphore, #tpu.memory_space<semaphore_mem>>) src(%dma_wait3A_971 : memref<2048xf32, #tpu.memory_space<vmem>>) dst(%dma_wait3A_969 : memref<2048xf32, #tpu.memory_space<hbm>>)
      tpu.yield
    }) : () -> ()
    %scan3A = arith.constant 0 : i32
    %scan3A_953 = arith.constant 32 : i32
    %scan3A_954 = arith.addi %scan3A, %scan3A_953 : i32
    %scan3A_955 = arith.constant 1 : i32
    scf.for %scan3A_960 = %scan3A to %scan3A_954 step %scan3A_955  : i32 {
      %mul3A_961 = arith.constant 2 : i32
      %mul3A_962 = arith.muli %scan3A_960, %mul3A_961 : i32
      %add3A_963 = arith.constant 0 : i32
      %add3A_964 = arith.addi %add3A_963, %mul3A_962 : i32
      %add3A_965 = arith.constant 0 : i32
      %add3A_966 = arith.addi %add3A_964, %add3A_965 : i32
      %add3A_967 = arith.constant 1 : i32
      %add3A_968 = arith.addi %add3A_966, %add3A_967 : i32
      %lt3A = arith.constant 64 : i32
      %lt3A_969 = arith.cmpi slt, %add3A_968, %lt3A : i32
      %convert_element_type3A = arith.extui %lt3A_969 : i1 to i32
      %cond3A = arith.constant 0 : i32
      %cond3A_970 = arith.cmpi ne, %convert_element_type3A, %cond3A : i32
      scf.if %cond3A_970 {
        %add3A_1051 = arith.constant 1 : i32
        %add3A_1052 = arith.addi %add3A_966, %add3A_1051 : i32
        %mul3A_1053 = arith.constant 16384 : i32
        %mul3A_1054 = arith.muli %add3A_1052, %mul3A_1053 : i32
        %add3A_1055 = arith.addi %mul3A_2, %mul3A_1054 : i32
        %dma_start3A_1056 = tpu.memref_slice %arg5[%add3A_1055] : memref<33554432xf32, #tpu.memory_space<hbm>> -> memref<16384xf32, #tpu.memory_space<hbm>>
        %dma_start3A_1057 = tpu.memref_slice %arg5[%add3A_1055] : memref<33554432xf32, #tpu.memory_space<hbm>> -> memref<16384xf32, #tpu.memory_space<hbm>>
        tpu.enqueue_dma source(%dma_start3A_1057 : memref<16384xf32, #tpu.memory_space<hbm>>) target(%arg11 : memref<16384xf32, #tpu.memory_space<vmem>>) target_semaphore(%arg15 : memref<!tpu.dma_semaphore, #tpu.memory_space<semaphore_mem>>)
      } else {
      }
      %dma_wait3A_971 = tpu.memref_slice %arg5[%mul3A_2] : memref<33554432xf32, #tpu.memory_space<hbm>> -> memref<16384xf32, #tpu.memory_space<hbm>>
      %dma_wait3A_972 = tpu.memref_slice %arg5[%mul3A_2] : memref<33554432xf32, #tpu.memory_space<hbm>> -> memref<16384xf32, #tpu.memory_space<hbm>>
      tpu.wait_dma2 semaphore(%arg14 : memref<!tpu.dma_semaphore, #tpu.memory_space<semaphore_mem>>) src(%dma_wait3A_972 : memref<16384xf32, #tpu.memory_space<hbm>>) dst(%arg10 : memref<16384xf32, #tpu.memory_space<vmem>>)
      %ge3A = arith.constant 2 : i32
      %ge3A_973 = arith.cmpi sge, %add3A_966, %ge3A : i32
      %convert_element_type3A_974 = arith.extui %ge3A_973 : i1 to i32
      %cond3A_975 = arith.constant 0 : i32
      %cond3A_976 = arith.cmpi ne, %convert_element_type3A_974, %cond3A_975 : i32
      scf.if %cond3A_976 {
        %dma_wait3A_1051 = tpu.memref_slice %arg6[%add3A_4] : memref<33619968xf32, #tpu.memory_space<hbm>> -> memref<16384xf32, #tpu.memory_space<hbm>>
        %dma_wait3A_1052 = tpu.memref_slice %arg6[%add3A_4] : memref<33619968xf32, #tpu.memory_space<hbm>> -> memref<16384xf32, #tpu.memory_space<hbm>>
        tpu.wait_dma2 semaphore(%arg16 : memref<!tpu.dma_semaphore, #tpu.memory_space<semaphore_mem>>) src(%arg12 : memref<16384xf32, #tpu.memory_space<vmem>>) dst(%dma_wait3A_1052 : memref<16384xf32, #tpu.memory_space<hbm>>)
      } else {
      }
      %mul3A_977 = arith.constant 2 : i32
      %mul3A_978 = arith.muli %add3A_966, %mul3A_977 : i32
      %add3A_979 = arith.constant 0 : i32
      %add3A_980 = arith.addi %mul3A_978, %add3A_979 : i32
      %mul3A_981 = arith.constant 16 : i32
      %mul3A_982 = arith.muli %add3A_980, %mul3A_981 : i32
      %get3A_983 = arith.index_cast %mul3A_982 : i32 to index
      %get3A_984 = tpu.vector_load %arg9[%get3A_983] {strides = array<i32>} : memref<2048xf32, #tpu.memory_space<vmem>>, vector<16xf32>,
      %get3A_985 = vector.shape_cast %get3A_984 : vector<16xf32> to vector<16xf32>
      %parallel_loop3A_986 = arith.constant 0 : i32
      %parallel_loop3A_987 = arith.constant 8192 : i32
      %parallel_loop3A_988 = arith.constant 16 : i32
      scf.for %parallel_loop3A_1051 = %parallel_loop3A_986 to %parallel_loop3A_987 step %parallel_loop3A_988  : i32 {
        %parallel_loop3A_1052 = arith.index_cast %parallel_loop3A_1051 : i32 to index
        %parallel_loop3A_1053 = tpu.vector_load %arg10[%parallel_loop3A_1052] {strides = array<i32>} : memref<16384xf32, #tpu.memory_space<vmem>>, vector<16xf32>,
        %parallel_loop3A_1054 = vector.shape_cast %parallel_loop3A_1053 : vector<16xf32> to vector<16xf32>
        %parallel_loop3A_1055 = arith.mulf %parallel_loop3A_1054, %get3A_985 : vector<16xf32>
        %parallel_loop3A_1056 = arith.index_cast %parallel_loop3A_1051 : i32 to index
        %parallel_loop3A_1057 = tpu.vector_load %arg12[%parallel_loop3A_1056] {strides = array<i32>} : memref<16384xf32, #tpu.memory_space<vmem>>, vector<16xf32>,
        %parallel_loop3A_1058 = vector.shape_cast %parallel_loop3A_1057 : vector<16xf32> to vector<16xf32>
        %parallel_loop3A_1059 = vector.shape_cast %parallel_loop3A_1055 : vector<16xf32> to vector<16xf32>
        tpu.vector_store %arg12[%parallel_loop3A_1056], %parallel_loop3A_1059 {strides = array<i32>} : memref<16384xf32, #tpu.memory_space<vmem>>, vector<16xf32>,
      } {sc.loop_unroll_factor = 16 : i64, sc.parallel_access}
      %mul3A_989 = arith.constant 2 : i32
      %mul3A_990 = arith.muli %add3A_966, %mul3A_989 : i32
      %add3A_991 = arith.constant 1 : i32
      %add3A_992 = arith.addi %mul3A_990, %add3A_991 : i32
      %mul3A_993 = arith.constant 16 : i32
      %mul3A_994 = arith.muli %add3A_992, %mul3A_993 : i32
      %get3A_995 = arith.index_cast %mul3A_994 : i32 to index
      %get3A_996 = tpu.vector_load %arg9[%get3A_995] {strides = array<i32>} : memref<2048xf32, #tpu.memory_space<vmem>>, vector<16xf32>,
      %get3A_997 = vector.shape_cast %get3A_996 : vector<16xf32> to vector<16xf32>
      %parallel_loop3A_998 = arith.constant 8192 : i32
      %parallel_loop3A_999 = arith.constant 16384 : i32
      %parallel_loop3A_1000 = arith.constant 16 : i32
      scf.for %parallel_loop3A_1051 = %parallel_loop3A_998 to %parallel_loop3A_999 step %parallel_loop3A_1000  : i32 {
        %parallel_loop3A_1052 = arith.index_cast %parallel_loop3A_1051 : i32 to index
        %parallel_loop3A_1053 = tpu.vector_load %arg10[%parallel_loop3A_1052] {strides = array<i32>} : memref<16384xf32, #tpu.memory_space<vmem>>, vector<16xf32>,
        %parallel_loop3A_1054 = vector.shape_cast %parallel_loop3A_1053 : vector<16xf32> to vector<16xf32>
        %parallel_loop3A_1055 = arith.mulf %parallel_loop3A_1054, %get3A_997 : vector<16xf32>
        %parallel_loop3A_1056 = arith.index_cast %parallel_loop3A_1051 : i32 to index
        %parallel_loop3A_1057 = tpu.vector_load %arg12[%parallel_loop3A_1056] {strides = array<i32>} : memref<16384xf32, #tpu.memory_space<vmem>>, vector<16xf32>,
        %parallel_loop3A_1058 = vector.shape_cast %parallel_loop3A_1057 : vector<16xf32> to vector<16xf32>
        %parallel_loop3A_1059 = vector.shape_cast %parallel_loop3A_1055 : vector<16xf32> to vector<16xf32>
        tpu.vector_store %arg12[%parallel_loop3A_1056], %parallel_loop3A_1059 {strides = array<i32>} : memref<16384xf32, #tpu.memory_space<vmem>>, vector<16xf32>,
      } {sc.loop_unroll_factor = 16 : i64, sc.parallel_access}
      %mul3A_1001 = arith.constant 16384 : i32
      %mul3A_1002 = arith.muli %add3A_966, %mul3A_1001 : i32
      %add3A_1003 = arith.addi %add3A_4, %mul3A_1002 : i32
      %dma_start3A_1004 = tpu.memref_slice %arg6[%add3A_1003] : memref<33619968xf32, #tpu.memory_space<hbm>> -> memref<16384xf32, #tpu.memory_space<hbm>>
      %dma_start3A_1005 = tpu.memref_slice %arg6[%add3A_1003] : memref<33619968xf32, #tpu.memory_space<hbm>> -> memref<16384xf32, #tpu.memory_space<hbm>>
      tpu.enqueue_dma source(%arg12 : memref<16384xf32, #tpu.memory_space<vmem>>) target(%dma_start3A_1005 : memref<16384xf32, #tpu.memory_space<hbm>>) target_semaphore(%arg16 : memref<!tpu.dma_semaphore, #tpu.memory_space<semaphore_mem>>)
      %add3A_1006 = arith.constant 1 : i32
      %add3A_1007 = arith.addi %add3A_964, %add3A_1006 : i32
      %add3A_1008 = arith.constant 1 : i32
      %add3A_1009 = arith.addi %add3A_1007, %add3A_1008 : i32
      %lt3A_1010 = arith.constant 64 : i32
      %lt3A_1011 = arith.cmpi slt, %add3A_1009, %lt3A_1010 : i32
      %convert_element_type3A_1012 = arith.extui %lt3A_1011 : i1 to i32
      %cond3A_1013 = arith.constant 0 : i32
      %cond3A_1014 = arith.cmpi ne, %convert_element_type3A_1012, %cond3A_1013 : i32
      scf.if %cond3A_1014 {
        %add3A_1051 = arith.constant 1 : i32
        %add3A_1052 = arith.addi %add3A_1007, %add3A_1051 : i32
        %mul3A_1053 = arith.constant 16384 : i32
        %mul3A_1054 = arith.muli %add3A_1052, %mul3A_1053 : i32
        %add3A_1055 = arith.addi %mul3A_2, %mul3A_1054 : i32
        %dma_start3A_1056 = tpu.memref_slice %arg5[%add3A_1055] : memref<33554432xf32, #tpu.memory_space<hbm>> -> memref<16384xf32, #tpu.memory_space<hbm>>
        %dma_start3A_1057 = tpu.memref_slice %arg5[%add3A_1055] : memref<33554432xf32, #tpu.memory_space<hbm>> -> memref<16384xf32, #tpu.memory_space<hbm>>
        tpu.enqueue_dma source(%dma_start3A_1057 : memref<16384xf32, #tpu.memory_space<hbm>>) target(%arg10 : memref<16384xf32, #tpu.memory_space<vmem>>) target_semaphore(%arg14 : memref<!tpu.dma_semaphore, #tpu.memory_space<semaphore_mem>>)
      } else {
      }
      %dma_wait3A_1015 = tpu.memref_slice %arg5[%mul3A_2] : memref<33554432xf32, #tpu.memory_space<hbm>> -> memref<16384xf32, #tpu.memory_space<hbm>>
      %dma_wait3A_1016 = tpu.memref_slice %arg5[%mul3A_2] : memref<33554432xf32, #tpu.memory_space<hbm>> -> memref<16384xf32, #tpu.memory_space<hbm>>
      tpu.wait_dma2 semaphore(%arg15 : memref<!tpu.dma_semaphore, #tpu.memory_space<semaphore_mem>>) src(%dma_wait3A_1016 : memref<16384xf32, #tpu.memory_space<hbm>>) dst(%arg11 : memref<16384xf32, #tpu.memory_space<vmem>>)
      %ge3A_1017 = arith.constant 2 : i32
      %ge3A_1018 = arith.cmpi sge, %add3A_1007, %ge3A_1017 : i32
      %convert_element_type3A_1019 = arith.extui %ge3A_1018 : i1 to i32
      %cond3A_1020 = arith.constant 0 : i32
      %cond3A_1021 = arith.cmpi ne, %convert_element_type3A_1019, %cond3A_1020 : i32
      scf.if %cond3A_1021 {
        %dma_wait3A_1051 = tpu.memref_slice %arg6[%add3A_4] : memref<33619968xf32, #tpu.memory_space<hbm>> -> memref<16384xf32, #tpu.memory_space<hbm>>
        %dma_wait3A_1052 = tpu.memref_slice %arg6[%add3A_4] : memref<33619968xf32, #tpu.memory_space<hbm>> -> memref<16384xf32, #tpu.memory_space<hbm>>
        tpu.wait_dma2 semaphore(%arg17 : memref<!tpu.dma_semaphore, #tpu.memory_space<semaphore_mem>>) src(%arg13 : memref<16384xf32, #tpu.memory_space<vmem>>) dst(%dma_wait3A_1052 : memref<16384xf32, #tpu.memory_space<hbm>>)
      } else {
      }
      %mul3A_1022 = arith.constant 2 : i32
      %mul3A_1023 = arith.muli %add3A_1007, %mul3A_1022 : i32
      %add3A_1024 = arith.constant 0 : i32
      %add3A_1025 = arith.addi %mul3A_1023, %add3A_1024 : i32
      %mul3A_1026 = arith.constant 16 : i32
      %mul3A_1027 = arith.muli %add3A_1025, %mul3A_1026 : i32
      %get3A_1028 = arith.index_cast %mul3A_1027 : i32 to index
      %get3A_1029 = tpu.vector_load %arg9[%get3A_1028] {strides = array<i32>} : memref<2048xf32, #tpu.memory_space<vmem>>, vector<16xf32>,
      %get3A_1030 = vector.shape_cast %get3A_1029 : vector<16xf32> to vector<16xf32>
      %parallel_loop3A_1031 = arith.constant 0 : i32
      %parallel_loop3A_1032 = arith.constant 8192 : i32
      %parallel_loop3A_1033 = arith.constant 16 : i32
      scf.for %parallel_loop3A_1051 = %parallel_loop3A_1031 to %parallel_loop3A_1032 step %parallel_loop3A_1033  : i32 {
        %parallel_loop3A_1052 = arith.index_cast %parallel_loop3A_1051 : i32 to index
        %parallel_loop3A_1053 = tpu.vector_load %arg11[%parallel_loop3A_1052] {strides = array<i32>} : memref<16384xf32, #tpu.memory_space<vmem>>, vector<16xf32>,
        %parallel_loop3A_1054 = vector.shape_cast %parallel_loop3A_1053 : vector<16xf32> to vector<16xf32>
        %parallel_loop3A_1055 = arith.mulf %parallel_loop3A_1054, %get3A_1030 : vector<16xf32>
        %parallel_loop3A_1056 = arith.index_cast %parallel_loop3A_1051 : i32 to index
        %parallel_loop3A_1057 = tpu.vector_load %arg13[%parallel_loop3A_1056] {strides = array<i32>} : memref<16384xf32, #tpu.memory_space<vmem>>, vector<16xf32>,
        %parallel_loop3A_1058 = vector.shape_cast %parallel_loop3A_1057 : vector<16xf32> to vector<16xf32>
        %parallel_loop3A_1059 = vector.shape_cast %parallel_loop3A_1055 : vector<16xf32> to vector<16xf32>
        tpu.vector_store %arg13[%parallel_loop3A_1056], %parallel_loop3A_1059 {strides = array<i32>} : memref<16384xf32, #tpu.memory_space<vmem>>, vector<16xf32>,
      } {sc.loop_unroll_factor = 16 : i64, sc.parallel_access}
      %mul3A_1034 = arith.constant 2 : i32
      %mul3A_1035 = arith.muli %add3A_1007, %mul3A_1034 : i32
      %add3A_1036 = arith.constant 1 : i32
      %add3A_1037 = arith.addi %mul3A_1035, %add3A_1036 : i32
      %mul3A_1038 = arith.constant 16 : i32
      %mul3A_1039 = arith.muli %add3A_1037, %mul3A_1038 : i32
      %get3A_1040 = arith.index_cast %mul3A_1039 : i32 to index
      %get3A_1041 = tpu.vector_load %arg9[%get3A_1040] {strides = array<i32>} : memref<2048xf32, #tpu.memory_space<vmem>>, vector<16xf32>,
      %get3A_1042 = vector.shape_cast %get3A_1041 : vector<16xf32> to vector<16xf32>
      %parallel_loop3A_1043 = arith.constant 8192 : i32
      %parallel_loop3A_1044 = arith.constant 16384 : i32
      %parallel_loop3A_1045 = arith.constant 16 : i32
      scf.for %parallel_loop3A_1051 = %parallel_loop3A_1043 to %parallel_loop3A_1044 step %parallel_loop3A_1045  : i32 {
        %parallel_loop3A_1052 = arith.index_cast %parallel_loop3A_1051 : i32 to index
        %parallel_loop3A_1053 = tpu.vector_load %arg11[%parallel_loop3A_1052] {strides = array<i32>} : memref<16384xf32, #tpu.memory_space<vmem>>, vector<16xf32>,
        %parallel_loop3A_1054 = vector.shape_cast %parallel_loop3A_1053 : vector<16xf32> to vector<16xf32>
        %parallel_loop3A_1055 = arith.mulf %parallel_loop3A_1054, %get3A_1042 : vector<16xf32>
        %parallel_loop3A_1056 = arith.index_cast %parallel_loop3A_1051 : i32 to index
        %parallel_loop3A_1057 = tpu.vector_load %arg13[%parallel_loop3A_1056] {strides = array<i32>} : memref<16384xf32, #tpu.memory_space<vmem>>, vector<16xf32>,
        %parallel_loop3A_1058 = vector.shape_cast %parallel_loop3A_1057 : vector<16xf32> to vector<16xf32>
        %parallel_loop3A_1059 = vector.shape_cast %parallel_loop3A_1055 : vector<16xf32> to vector<16xf32>
        tpu.vector_store %arg13[%parallel_loop3A_1056], %parallel_loop3A_1059 {strides = array<i32>} : memref<16384xf32, #tpu.memory_space<vmem>>, vector<16xf32>,
      } {sc.loop_unroll_factor = 16 : i64, sc.parallel_access}
      %mul3A_1046 = arith.constant 16384 : i32
      %mul3A_1047 = arith.muli %add3A_1007, %mul3A_1046 : i32
      %add3A_1048 = arith.addi %add3A_4, %mul3A_1047 : i32
      %dma_start3A_1049 = tpu.memref_slice %arg6[%add3A_1048] : memref<33619968xf32, #tpu.memory_space<hbm>> -> memref<16384xf32, #tpu.memory_space<hbm>>
      %dma_start3A_1050 = tpu.memref_slice %arg6[%add3A_1048] : memref<33619968xf32, #tpu.memory_space<hbm>> -> memref<16384xf32, #tpu.memory_space<hbm>>
      tpu.enqueue_dma source(%arg13 : memref<16384xf32, #tpu.memory_space<vmem>>) target(%dma_start3A_1050 : memref<16384xf32, #tpu.memory_space<hbm>>) target_semaphore(%arg17 : memref<!tpu.dma_semaphore, #tpu.memory_space<semaphore_mem>>)
    }
    %scan3A_956 = arith.constant 32 : i32
    %dma_wait3A = tpu.memref_slice %arg6[%add3A_4] : memref<33619968xf32, #tpu.memory_space<hbm>> -> memref<16384xf32, #tpu.memory_space<hbm>>
    %dma_wait3A_957 = tpu.memref_slice %arg6[%add3A_4] : memref<33619968xf32, #tpu.memory_space<hbm>> -> memref<16384xf32, #tpu.memory_space<hbm>>
    tpu.wait_dma2 semaphore(%arg16 : memref<!tpu.dma_semaphore, #tpu.memory_space<semaphore_mem>>) src(%arg12 : memref<16384xf32, #tpu.memory_space<vmem>>) dst(%dma_wait3A_957 : memref<16384xf32, #tpu.memory_space<hbm>>)
    %dma_wait3A_958 = tpu.memref_slice %arg6[%add3A_4] : memref<33619968xf32, #tpu.memory_space<hbm>> -> memref<16384xf32, #tpu.memory_space<hbm>>
    %dma_wait3A_959 = tpu.memref_slice %arg6[%add3A_4] : memref<33619968xf32, #tpu.memory_space<hbm>> -> memref<16384xf32, #tpu.memory_space<hbm>>
    tpu.wait_dma2 semaphore(%arg17 : memref<!tpu.dma_semaphore, #tpu.memory_space<semaphore_mem>>) src(%arg13 : memref<16384xf32, #tpu.memory_space<vmem>>) dst(%dma_wait3A_959 : memref<16384xf32, #tpu.memory_space<hbm>>)
    return
  }
}

</mosaic_0001>

<sc_bundles>
// kernel: kernel.3.cloned.1.call-start
scs
__scs_entry_jumppad:
0x0: {  	(pc) =	sbr.rel $0x88, $3  }
0x1: {  	(tag) =	ssettag $0x0;
	lr =	simm.s32 $0x1  }
0x2: {  	[smem:$0x3F9D] =	sst lr;
	_ =	strace $0xD0000000  }
0x3: {  	_ = 	snop  }
0x4: {  	_ = 	snop  }
0x5: {  	_ = 	snop  }
0x6: {  	_ = 	snop  }
0x7: {  	_ = 	snop  }
__scs_overlays_trampoline_lowered:
0x8: {  	[smem:$0x3FAC] =	sst s0  }
0x9: {  	[smem:$0x3FAD] =	sst s1  }
0xa: {  	[smem:$0x3FAE] =	sst s2  }
0xb: {  	[smem:$0x3FAF] =	sst s3  }
0xc: {  	[smem:$0x3FB0] =	sst s4  }
0xd: {  	[smem:$0x3FB1] =	sst s5  }
0xe: {  	[smem:$0x3FB2] =	sst s6  }
0xf: {  	[smem:$0x3FB3] =	sst s7  }
0x10: {  	[smem:$0x3FB4] =	sst s8  }
0x11: {  	[smem:$0x3FB5] =	sst s9;
	s0 =	simm.s32 @!p0 $0x0  }
0x12: {  	s1 =	sld [smem:$0x3F9B];
	s0 =	simm.s32 @p0 $0x1  }
0x13: {  	[smem:$0x3FB6] =	sst s0;
	s0 =	simm.s32 @!p1 $0x0  }
0x14: {  	s2 =	sld [smem:$0x3F9A];
	s0 =	simm.s32 @p1 $0x1  }
0x15: {  	[smem:$0x3FB7] =	sst s0;
	s0 =	simm.s32 @!p2 $0x0  }
0x16: {  	s3 =	sld [smem:$0x3FDB];
	s0 =	simm.s32 @p2 $0x1  }
0x17: {  	s4 =	simm.s32 $0x1BF5;
	[smem:$0x3FB9] =	sst s0  }
0x18: {  	s0 =	sld [smem:$0x3F9C];
	_ =	swait.ge [sflag:s4], $0x0  }
0x19: {  	s7 =	sld [smem:$0x3F9D]  }
0x1a: {  	s8 =	sadd.s32 $0xFFFFE003, lr  }
0x1b: {  	s9 =	sadd.s32 $0xFFFFFEF7, lr;
	s5 =	simm.s32 $0xFFFFFFFF;
	p2 =	slt.u32 s8, $0xFFFFF086  }
0x1c: {  	p1 =	slt.u32 s9, $0xF7A;
	s5 =	simm.s32 @!p2 $0x0  }
0x1d: {  	s5 =	simm.s32 @p1 $0x1;
	p0 =	seq.s32 s7, s2  }
0x1e: {  	s7 =	smul.u32 @!p0 $0xF7A, s2;
	p2 =	seq.s32 @!p0 s5, $0x0  }
0x1f: {  	s9 =	smul.u32 $0xF7A, s1;
	s8 =	simm.s32 @!p0 $0x1BF5;
	p2 =	por !p2, p0  }
0x20: {  	[sflag:s8] =	ssyncset.s32 @!p0 $0xFFFFF086;
	s6 =	sadd.s32 @!p0 s3, s7;
	s7 =	simm.s32 @!p0 $0x108  }
0x21: {  	s3 =	sadd.s32 s3, s9;
	s6 =	sadd.s32 @!p0 $0x88, s6;
	s7 =	simm.s32 @p2 $0x1082  }
0x22: {  	[simem:s7], [sflag:s8] =	dma.local @!p0 [hbm:s6], $0xF7A  }
0x23: {  	s9 =	sor.u32 $0xD0000000, s2;
	s6 =	simm.s32 $0x108;
	_ =	swait.ge @!p0 [sflag:s8], $0x0  }
0x24: {  	s3 =	sadd.s32 $0x88, s3;
	s6 =	simm.s32 @!p1 $0x1082;
	[sflag:s4] =	ssyncset.s32 $0xFFFFF086  }
0x25: {  	[simem:s6], [sflag:s4] =	dma.local [hbm:s3], $0xF7A  }
0x26: {  	[smem:$0x3F9D] =	sst s1;
	(tag) =	ssettag s2;
	_ =	strace s9  }
0x27: {  	s1 =	sld [smem:$0x3FAD]  }
0x28: {  	s2 =	sld [smem:$0x3FAE]  }
0x29: {  	s4 =	sld [smem:$0x3FB0]  }
0x2a: {  	p0 =	seq.s32 s5, $0x0;
	s5 =	sld [smem:$0x3FB1]  }
0x2b: {  	s6 =	sld [smem:$0x3FB2]  }
0x2c: {  	s7 =	sld [smem:$0x3FB3]  }
0x2d: {  	s3 =	simm.s32 $0x108;
	s8 =	sld [smem:$0x3FB4]  }
0x2e: {  	s3 =	simm.s32 @!p0 $0x1082;
	s9 =	sld [smem:$0x3FB5]  }
0x2f: {  	lr =	sadd.s32 s0, s3;
	s0 =	sld [smem:$0x3FAC]  }
0x30: {  	s3 =	sld [smem:$0x3FAF]  }
0x31: {  	[smem:$0x3FB8] =	sst s10  }
0x32: {  	s10 =	sld [smem:$0x3FB6];
	_ =	sdelay $0x3  }
0x33: {  	p0 =	seq.s32 s10, $0x1;
	s10 =	sld [smem:$0x3FB8];
	_ =	sdelay $0x3  }
0x34: {  	[smem:$0x3FB8] =	sst s10  }
0x35: {  	s10 =	sld [smem:$0x3FB7];
	_ =	sdelay $0x3  }
0x36: {  	p1 =	seq.s32 s10, $0x1;
	s10 =	sld [smem:$0x3FB8];
	_ =	sdelay $0x3  }
0x37: {  	[smem:$0x3FB8] =	sst s10  }
0x38: {  	s10 =	sld [smem:$0x3FB9]  }
0x39: {  	_ = 	snop;
	(pc) =	sbr.ind lr, $3  }
0x3a: {  	_ = 	snop  }
0x3b: {  	_ = 	snop  }
0x3c: {  	p2 =	seq.s32 s10, $0x1;
	s10 =	sld [smem:$0x3FB8]  }
0x3d: {  	_ =	shalt  }
0x3e: {  	_ =	shalt  }
0x3f: {  	_ =	shalt  }
0x40: {  	_ =	shalt  }
0x41: {  	_ =	shalt  }
0x42: {  	_ =	shalt  }
0x43: {  	_ =	shalt  }
0x44: {  	_ =	shalt  }
0x45: {  	_ =	shalt  }
0x46: {  	_ =	shalt  }
0x47: {  	_ =	shalt  }
0x48: {  	_ =	shalt  }
0x49: {  	_ =	shalt  }
0x4a: {  	_ =	shalt  }
0x4b: {  	_ =	shalt  }
0x4c: {  	_ =	shalt  }
0x4d: {  	_ =	shalt  }
0x4e: {  	_ =	shalt  }
0x4f: {  	_ =	shalt  }
0x50: {  	_ =	shalt  }
0x51: {  	_ =	shalt  }
0x52: {  	_ =	shalt  }
0x53: {  	_ =	shalt  }
0x54: {  	_ =	shalt  }
0x55: {  	_ =	shalt  }
0x56: {  	_ =	shalt  }
0x57: {  	_ =	shalt  }
0x58: {  	_ =	shalt  }
0x59: {  	_ =	shalt  }
0x5a: {  	_ =	shalt  }
0x5b: {  	_ =	shalt  }
0x5c: {  	_ =	shalt  }
0x5d: {  	_ =	shalt  }
0x5e: {  	_ =	shalt  }
0x5f: {  	_ =	shalt  }
0x60: {  	_ =	shalt  }
0x61: {  	_ =	shalt  }
0x62: {  	_ =	shalt  }
0x63: {  	_ =	shalt  }
0x64: {  	_ =	shalt  }
0x65: {  	_ =	shalt  }
0x66: {  	_ =	shalt  }
0x67: {  	_ =	shalt  }
0x68: {  	_ =	shalt  }
0x69: {  	_ =	shalt  }
0x6a: {  	_ =	shalt  }
0x6b: {  	_ =	shalt  }
0x6c: {  	_ =	shalt  }
0x6d: {  	_ =	shalt  }
0x6e: {  	_ =	shalt  }
0x6f: {  	_ =	shalt  }
0x70: {  	_ =	shalt  }
0x71: {  	_ =	shalt  }
0x72: {  	_ =	shalt  }
0x73: {  	_ =	shalt  }
0x74: {  	_ =	shalt  }
0x75: {  	_ =	shalt  }
0x76: {  	_ =	shalt  }
0x77: {  	_ =	shalt  }
0x78: {  	_ =	shalt  }
0x79: {  	_ =	shalt  }
0x7a: {  	_ =	shalt  }
0x7b: {  	_ =	shalt  }
0x7c: {  	_ =	shalt  }
0x7d: {  	_ =	shalt  }
0x7e: {  	_ =	shalt  }
0x7f: {  	_ =	shalt  }
0x80: {  	_ =	shalt  }
0x81: {  	_ =	shalt  }
0x82: {  	_ =	shalt  }
0x83: {  	_ =	shalt  }
0x84: {  	_ =	shalt  }
0x85: {  	_ =	shalt  }
0x86: {  	_ =	shalt  }
0x87: {  	_ =	shalt  }
.Lfunc_end0:
.L_simem_size_0:
called_computation.1_lowered:
.L_overlay_start_0:
0x88: {  	s2 =	sld [smem:$0x3FD9]  }
0x89: {  	s3 =	sld [smem:$0x3FFE];
	_ =	sdelay $0x1  }
0x8a: {  	s1 =	srdreg.scid  }
0x8b: {  	s0 =	sand.u32 $0x1, s1  }
0x8c: {  	s17 =	sshll.u32 s0, $0xA;
	s2 =	sadd.s32 s3, s2  }
0x8d: {  	s2 =	sadd.s32 s2, s17  }
0x8e: {  	[smem:$0x3FC4] =	sst s2  }
0x8f: {  	_ = 	snop  }
0x90: {  	s2 =	sld [smem:$0x3FC8]  }
0x91: {  	s18 =	sld [smem:$0x3FC7]  }
0x92: {  	s4 =	sld [smem:$0x3FD0];
	(tm) =	ssettm $0x1  }
0x93: {  	s5 =	sld [smem:$0x3FFB];
	_ =	sdelay $0x3  }
0x94: {  	_ =	strace s5  }
0x95: {  	s5 =	sld [smem:$0x3FFC];
	_ =	sdelay $0x3  }
0x96: {  	_ =	strace s5  }
0x97: {  	s5 =	sld [smem:$0x3FFD];
	_ =	sdelay $0x3  }
0x98: {  	_ =	strace s5  }
0x99: {  	_ =	strace $0x8FFFFFFF  }
0x9a: {  	s19 =	sld [smem:$0x3FDB];
	_ =	sdelay $0x1  }
0x9b: {  	s6 =	simm.s32 $_scs_section_size  }
0x9c: {  	s7 =	simm.s32 $_size__tile_overlayer_lowered;
	s8 =	simm.s32 $_tile_overlayer_lowered  }
0x9d: {  	s22 =	simm.s32 $0x1BFF;
	s21 =	sshll.u32 s8, $0x1;
	s5 =	sadd.s32 s6, s19  }
0x9e: {  	s9 =	simm.s32 $0x0;
	s20 =	sshll.u32 s7, $0x1;
	s7 =	sadd.s32 s21, s5  }
0x9f: {  	[timem:s9], [sflag:s22] =	dma.local [hbm:s7], s20  }
0xa0: {  	_ =	swait.ge [sflag:s22], s20  }
0xa1: {  	s6 =	ssub.s32 $0x0, s20;
	[sflag:s22] =	ssyncset.done $0x0  }
0xa2: {  	[sflag:s22] =	ssyncadd.s32 s6;
	_ =	sdelay $0x1  }
0xa3: {  	s23 =	simm.s32 $0x1B8B  }
0xa4: {  	_ =	swait.ge [sflag:s23], $0x1  }
0xa5: {  	[sflag:s23] =	ssyncset.done $0x0  }
0xa6: {  	s25 =	simm.s32 $0x1B8E;
	s24 =	sld [smem:$0x3FFE];
	[sflag:s23] =	ssyncadd.s32 $0xFFFFFFFF  }
0xa7: {  	s26 =	simm.s32 $execute0_lowered;
	[smem:$0x3FD2] =	sst s25  }
0xa8: {  	s7 =	sshll.u32 s26, $0x1;
	_ =	strace $0x80000049;
	[dreg:$0x1] =	wrdreg $0xFFFFFFFF  }
0xa9: {  	s28 =	simm.s32 $_size_execute0_lowered;
	s5 =	sadd.s32 s5, s7;
	[dreg:$0x0] =	wrdreg $0x0  }
0xaa: {  	s7 =	sshll.u32 s28, $0x1;
	[dreg:$0x2] =	wrdreg s5  }
0xab: {  	[dreg:$0x3] =	wrdreg s7  }
0xac: {  	[dreg:$0x4] =	wrdreg $0xC0  }
0xad: {  	_ =	task [dreg:s9], $0x5FFFF  }
0xae: {  	[dreg:$0x1] =	wrdreg $0xFFFFFFFF  }
0xaf: {  	[dreg:$0x0] =	wrdreg $0x60  }
0xb0: {  	[dreg:$0x2] =	wrdreg s24  }
0xb1: {  	[dreg:$0x3] =	wrdreg s2  }
0xb2: {  	[dreg:$0x4] =	wrdreg s18  }
0xb3: {  	[dreg:$0x5] =	wrdreg s4  }
0xb4: {  	[dreg:$0x6] =	wrdreg $0x9  }
0xb5: {  	_ =	task.clear_ibuf [dreg:s9], $0x7FFFF;
	_ =	strace $0x90000049  }
0xb6: {  	s29 =	simm.s32 $0x9;
	_ =	strace $0x8000004B  }
0xb7: {  	_ =	swait.ge [sflag:s29], $0x1  }
0xb8: {  	[sflag:s29] =	ssyncadd.s32 $0xFFFFFFFF  }
0xb9: {  	_ =	strace $0x9000004B  }
0xba: {  	_ =	sfence  }
0xbb: {  	s30 =	sld [smem:$0x0];
	_ =	sdelay $0x2  }
0xbc: {  	s31 =	sshll.u32 s1, $0xD;
	s1 =	sshrl.u32 s1, $0x2  }
0xbd: {  	s3 =	sand.u32 $0x4000, s31;
	s1 =	sadd.s32 s1, s30  }
0xbe: {  	s0 =	sor.u32 s3, s0;
	s1 =	sshll.u32 s1, $0x11  }
0xbf: {  	s0 =	sor.u32 s1, s0  }
0xc0: {  	s0 =	sadd.s32 $0x8F2B, s0  }
0xc1: {  	[sflag:s0] =	ssyncadd.remote.s32 $0x1  }
0xc2: {  	_ =	sfence.sel $0xFFFF  }
0xc3: {  	[dreg:$0x0] =	wrdreg $0xFFFFFFFF;
	(pc) =	sbr.abs _section_cstart, $3  }
0xc4: {  	[dreg:$0x1] =	wrdreg $0xFFFFFFFF  }
0xc5: {  	_ =	task.clear_ibuf [dreg:s9], $0x2FFFF;
	_ =	strace $0x9FFFFFFF  }
0xc6: {  	(tm) =	ssettm $0x7FFFFFFF  }
0xc7: {  	_ =	shalt  }
tec
execute0_lowered:
.L_overlay_start_1:
0x0: {  	(tag) =	ssettag $0x1  }
0x1: {  	s0 =	rddreg [dreg:$0x0]  }
0x2: {  	s10 =	rddreg [dreg:$0x1]  }
0x3: {  	s8 =	rddreg [dreg:$0x2]  }
0x4: {  	s1 =	rddreg [dreg:$0x3];
	s3 =	simm.s32 $0x0;
	s4 =	srdreg.scid  }
0x5: {  	s2 =	stileid.u32;
	s14 =	simm.s32 $0x5;
	s15 =	simm.s32 $0x80  }
0x6: {  	s16 =	simm.s32 $0x900;
	s17 =	simm.s32 $0x4900;
	s18 =	simm.s32 $0xC900  }
0x7: {  	s19 =	simm.s32 $0x1;
	s20 =	simm.s32 $0x8900;
	s21 =	simm.s32 $0x2  }
0x8: {  	s22 =	simm.s32 $0x4;
	s23 =	simm.s32 $0x3;
	s24 =	simm.s32 $0x0  }
0x9: {  	[smem:$0x7FF] =	sst s3;
	s5 =	sand.u32 $0x1, s4;
	s7 =	sshll.u32 s2, $0x1  }
0xa: {  	s4 =	sadd.s32 $0x400A00, s0;
	_ =	strace $0x8000004A;
	s6 =	ssub.s32 $0x2, s5  }
0xb: {  	s11 =	sor.u32 s5, s7;
	s5 =	sadd.s32 $0xA00, s0;
	s9 =	sshrl.u32 s6, $0x1  }
0xc: {  	s31 =	sshll.u32 s11, $0x4;
	s12 =	sshll.u32 s11, $0x11;
	s30 =	ssub.s32 s6, s9  }
0xd: {  	s6 =	sshll.u32 s11, $0x14;
	s8 =	sadd.s32 s8, s31;
	s11 =	sshll.u32 s11, $0x8  }
0xe: {  	s9 =	sadd.s32 s5, s12;
	s7 =	sor.u32 $0x10000, s6;
	s10 =	sadd.s32 s10, s11  }
0xf: {  	s11 =	sadd.s32 s1, s11;
	s12 =	sor.u32 $0x8000, s6;
	s13 =	smax.u32 s30, $0x1  }
.LBB2_1:
0x10: {  	[tilespmem:s3], [sflag:$0x5] =	stream.linear.gather [hbm4b:s4+s3], $0x80, $0x38;
	[tilespmem:$0x10900] =	vst v63  }
0x11: {  	_ =	swait.ge [sflag:s14], $0x80  }
0x12: {  	[sflag:s14] =	ssyncset.done $0x0  }
0x13: {  	[sflag:s14] =	ssyncadd.s32 $0xFFFFFF80  }
0x14: {  	[tilespmem:s15], [sflag:$0x5] =	stream.linear.gather [hbm4b:s8+s3], $0x80, $0x38;
	[tilespmem:$0x10900] =	vst v63  }
0x15: {  	_ =	swait.ge [sflag:s14], $0x80  }
0x16: {  	[sflag:s14] =	ssyncset.done $0x0  }
0x17: {  	[sflag:s14] =	ssyncadd.s32 $0xFFFFFF80  }
0x18: {  	v0 =	vld [tilespmem:$0x0];
	_ =	sdelay $0x1  }
0x19: {  	v2 =	vld [tilespmem:$0x80];
	_ =	sdelay $0x2  }
0x1a: {  	v1 =	vbroadcast v0, $0x1;
	_ =	sdelay $0x1  }
0x1b: {  	v2 =	vmul.f32 v1, v2;
	_ =	sdelay $0x1  }
0x1c: {  	v3 =	vbroadcast v2, $0x0  }
0x1d: {  	v4 =	vbroadcast v2, $0x1  }
0x1e: {  	[tilespmem:$0x100] =	vst v3;
	v3 =	vbroadcast v2, $0x2  }
0x1f: {  	[tilespmem:$0x110] =	vst v4;
	v4 =	vbroadcast v2, $0x3  }
0x20: {  	[tilespmem:$0x120] =	vst v3;
	v3 =	vbroadcast v2, $0x4  }
0x21: {  	[tilespmem:$0x130] =	vst v4;
	v4 =	vbroadcast v2, $0x5  }
0x22: {  	[tilespmem:$0x140] =	vst v3;
	v3 =	vbroadcast v2, $0x6  }
0x23: {  	[tilespmem:$0x150] =	vst v4;
	v4 =	vbroadcast v2, $0x7  }
0x24: {  	[tilespmem:$0x160] =	vst v3;
	v3 =	vbroadcast v2, $0x8  }
0x25: {  	v5 =	vld [tilespmem:$0x90];
	[tilespmem:$0x170] =	vst v4;
	v4 =	vbroadcast v2, $0x9  }
0x26: {  	[tilespmem:$0x180] =	vst v3;
	v3 =	vbroadcast v2, $0xA  }
0x27: {  	[tilespmem:$0x190] =	vst v4;
	v4 =	vbroadcast v2, $0xB  }
0x28: {  	[tilespmem:$0x1A0] =	vst v3;
	v3 =	vbroadcast v2, $0xC  }
0x29: {  	[tilespmem:$0x1B0] =	vst v4;
	v4 =	vbroadcast v2, $0xD  }
0x2a: {  	v5 =	vmul.f32 v5, v1;
	[tilespmem:$0x1C0] =	vst v3;
	v3 =	vbroadcast v2, $0xE  }
0x2b: {  	[tilespmem:$0x1D0] =	vst v4;
	v2 =	vbroadcast v2, $0xF  }
0x2c: {  	[tilespmem:$0x1E0] =	vst v3;
	v3 =	vbroadcast v5, $0x0  }
0x2d: {  	[tilespmem:$0x1F0] =	vst v2;
	v2 =	vbroadcast v5, $0x1  }
0x2e: {  	[tilespmem:$0x200] =	vst v3;
	v3 =	vbroadcast v5, $0x2  }
0x2f: {  	[tilespmem:$0x210] =	vst v2;
	v2 =	vbroadcast v5, $0x3  }
0x30: {  	[tilespmem:$0x220] =	vst v3;
	v3 =	vbroadcast v5, $0x4  }
0x31: {  	[tilespmem:$0x230] =	vst v2;
	v2 =	vbroadcast v5, $0x5  }
0x32: {  	[tilespmem:$0x240] =	vst v3;
	v3 =	vbroadcast v5, $0x6  }
0x33: {  	[tilespmem:$0x250] =	vst v2;
	v2 =	vbroadcast v5, $0x7  }
0x34: {  	[tilespmem:$0x260] =	vst v3;
	v3 =	vbroadcast v5, $0x8  }
0x35: {  	v4 =	vld [tilespmem:$0xA0];
	[tilespmem:$0x270] =	vst v2;
	v2 =	vbroadcast v5, $0x9  }
0x36: {  	[tilespmem:$0x280] =	vst v3;
	v3 =	vbroadcast v5, $0xA  }
0x37: {  	[tilespmem:$0x290] =	vst v2;
	v2 =	vbroadcast v5, $0xB  }
0x38: {  	[tilespmem:$0x2A0] =	vst v3;
	v3 =	vbroadcast v5, $0xC  }
0x39: {  	[tilespmem:$0x2B0] =	vst v2;
	v2 =	vbroadcast v5, $0xD  }
0x3a: {  	v4 =	vmul.f32 v4, v1;
	[tilespmem:$0x2C0] =	vst v3;
	v3 =	vbroadcast v5, $0xE  }
0x3b: {  	[tilespmem:$0x2D0] =	vst v2;
	v2 =	vbroadcast v5, $0xF  }
0x3c: {  	[tilespmem:$0x2E0] =	vst v3;
	v3 =	vbroadcast v4, $0x0  }
0x3d: {  	[tilespmem:$0x2F0] =	vst v2;
	v2 =	vbroadcast v4, $0x1  }
0x3e: {  	[tilespmem:$0x300] =	vst v3;
	v3 =	vbroadcast v4, $0x2  }
0x3f: {  	[tilespmem:$0x310] =	vst v2;
	v2 =	vbroadcast v4, $0x3  }
0x40: {  	[tilespmem:$0x320] =	vst v3;
	v3 =	vbroadcast v4, $0x4  }
0x41: {  	[tilespmem:$0x330] =	vst v2;
	v2 =	vbroadcast v4, $0x5  }
0x42: {  	[tilespmem:$0x340] =	vst v3;
	v3 =	vbroadcast v4, $0x6  }
0x43: {  	[tilespmem:$0x350] =	vst v2;
	v2 =	vbroadcast v4, $0x7  }
0x44: {  	[tilespmem:$0x360] =	vst v3;
	v3 =	vbroadcast v4, $0x8  }
0x45: {  	v5 =	vld [tilespmem:$0xB0];
	[tilespmem:$0x370] =	vst v2;
	v2 =	vbroadcast v4, $0x9  }
0x46: {  	[tilespmem:$0x380] =	vst v3;
	v3 =	vbroadcast v4, $0xA  }
0x47: {  	[tilespmem:$0x390] =	vst v2;
	v2 =	vbroadcast v4, $0xB  }
0x48: {  	[tilespmem:$0x3A0] =	vst v3;
	v3 =	vbroadcast v4, $0xC  }
0x49: {  	[tilespmem:$0x3B0] =	vst v2;
	v2 =	vbroadcast v4, $0xD  }
0x4a: {  	v5 =	vmul.f32 v5, v1;
	[tilespmem:$0x3C0] =	vst v3;
	v3 =	vbroadcast v4, $0xE  }
0x4b: {  	[tilespmem:$0x3D0] =	vst v2;
	v2 =	vbroadcast v4, $0xF  }
0x4c: {  	[tilespmem:$0x3E0] =	vst v3;
	v3 =	vbroadcast v5, $0x0  }
0x4d: {  	[tilespmem:$0x3F0] =	vst v2;
	v2 =	vbroadcast v5, $0x1  }
0x4e: {  	[tilespmem:$0x400] =	vst v3;
	v3 =	vbroadcast v5, $0x2  }
0x4f: {  	[tilespmem:$0x410] =	vst v2;
	v2 =	vbroadcast v5, $0x3  }
0x50: {  	[tilespmem:$0x420] =	vst v3;
	v3 =	vbroadcast v5, $0x4  }
0x51: {  	[tilespmem:$0x430] =	vst v2;
	v2 =	vbroadcast v5, $0x5  }
0x52: {  	[tilespmem:$0x440] =	vst v3;
	v3 =	vbroadcast v5, $0x6  }
0x53: {  	[tilespmem:$0x450] =	vst v2;
	v2 =	vbroadcast v5, $0x7  }
0x54: {  	[tilespmem:$0x460] =	vst v3;
	v3 =	vbroadcast v5, $0x8  }
0x55: {  	v4 =	vld [tilespmem:$0xC0];
	[tilespmem:$0x470] =	vst v2;
	v2 =	vbroadcast v5, $0x9  }
0x56: {  	[tilespmem:$0x480] =	vst v3;
	v3 =	vbroadcast v5, $0xA  }
0x57: {  	[tilespmem:$0x490] =	vst v2;
	v2 =	vbroadcast v5, $0xB  }
0x58: {  	[tilespmem:$0x4A0] =	vst v3;
	v3 =	vbroadcast v5, $0xC  }
0x59: {  	[tilespmem:$0x4B0] =	vst v2;
	v2 =	vbroadcast v5, $0xD  }
0x5a: {  	v4 =	vmul.f32 v4, v1;
	[tilespmem:$0x4C0] =	vst v3;
	v3 =	vbroadcast v5, $0xE  }
0x5b: {  	[tilespmem:$0x4D0] =	vst v2;
	v2 =	vbroadcast v5, $0xF  }
0x5c: {  	[tilespmem:$0x4E0] =	vst v3;
	v3 =	vbroadcast v4, $0x0  }
0x5d: {  	[tilespmem:$0x4F0] =	vst v2;
	v2 =	vbroadcast v4, $0x1  }
0x5e: {  	[tilespmem:$0x500] =	vst v3;
	v3 =	vbroadcast v4, $0x2  }
0x5f: {  	[tilespmem:$0x510] =	vst v2;
	v2 =	vbroadcast v4, $0x3  }
0x60: {  	[tilespmem:$0x520] =	vst v3;
	v3 =	vbroadcast v4, $0x4  }
0x61: {  	[tilespmem:$0x530] =	vst v2;
	v2 =	vbroadcast v4, $0x5  }
0x62: {  	[tilespmem:$0x540] =	vst v3;
	v3 =	vbroadcast v4, $0x6  }
0x63: {  	[tilespmem:$0x550] =	vst v2;
	v2 =	vbroadcast v4, $0x7  }
0x64: {  	[tilespmem:$0x560] =	vst v3;
	v3 =	vbroadcast v4, $0x8  }
0x65: {  	v5 =	vld [tilespmem:$0xD0];
	[tilespmem:$0x570] =	vst v2;
	v2 =	vbroadcast v4, $0x9  }
0x66: {  	[tilespmem:$0x580] =	vst v3;
	v3 =	vbroadcast v4, $0xA  }
0x67: {  	[tilespmem:$0x590] =	vst v2;
	v2 =	vbroadcast v4, $0xB  }
0x68: {  	[tilespmem:$0x5A0] =	vst v3;
	v3 =	vbroadcast v4, $0xC  }
0x69: {  	[tilespmem:$0x5B0] =	vst v2;
	v2 =	vbroadcast v4, $0xD  }
0x6a: {  	v5 =	vmul.f32 v5, v1;
	[tilespmem:$0x5C0] =	vst v3;
	v3 =	vbroadcast v4, $0xE  }
0x6b: {  	[tilespmem:$0x5D0] =	vst v2;
	v2 =	vbroadcast v4, $0xF  }
0x6c: {  	[tilespmem:$0x5E0] =	vst v3;
	v3 =	vbroadcast v5, $0x0  }
0x6d: {  	[tilespmem:$0x5F0] =	vst v2;
	v2 =	vbroadcast v5, $0x1  }
0x6e: {  	[tilespmem:$0x600] =	vst v3;
	v3 =	vbroadcast v5, $0x2  }
0x6f: {  	[tilespmem:$0x610] =	vst v2;
	v2 =	vbroadcast v5, $0x3  }
0x70: {  	[tilespmem:$0x620] =	vst v3;
	v3 =	vbroadcast v5, $0x4  }
0x71: {  	[tilespmem:$0x630] =	vst v2;
	v2 =	vbroadcast v5, $0x5  }
0x72: {  	[tilespmem:$0x640] =	vst v3;
	v3 =	vbroadcast v5, $0x6  }
0x73: {  	[tilespmem:$0x650] =	vst v2;
	v2 =	vbroadcast v5, $0x7  }
0x74: {  	[tilespmem:$0x660] =	vst v3;
	v3 =	vbroadcast v5, $0x8  }
0x75: {  	v4 =	vld [tilespmem:$0xE0];
	[tilespmem:$0x670] =	vst v2;
	v2 =	vbroadcast v5, $0x9  }
0x76: {  	[tilespmem:$0x680] =	vst v3;
	v3 =	vbroadcast v5, $0xA  }
0x77: {  	[tilespmem:$0x690] =	vst v2;
	v2 =	vbroadcast v5, $0xB  }
0x78: {  	[tilespmem:$0x6A0] =	vst v3;
	v3 =	vbroadcast v5, $0xC  }
0x79: {  	[tilespmem:$0x6B0] =	vst v2;
	v2 =	vbroadcast v5, $0xD  }
0x7a: {  	v4 =	vmul.f32 v4, v1;
	[tilespmem:$0x6C0] =	vst v3;
	v3 =	vbroadcast v5, $0xE  }
0x7b: {  	[tilespmem:$0x6D0] =	vst v2;
	v2 =	vbroadcast v5, $0xF  }
0x7c: {  	[tilespmem:$0x6E0] =	vst v3;
	v3 =	vbroadcast v4, $0x0  }
0x7d: {  	[tilespmem:$0x6F0] =	vst v2;
	v2 =	vbroadcast v4, $0x1  }
0x7e: {  	[tilespmem:$0x700] =	vst v3;
	v3 =	vbroadcast v4, $0x2  }
0x7f: {  	[tilespmem:$0x710] =	vst v2;
	v2 =	vbroadcast v4, $0x3  }
0x80: {  	[tilespmem:$0x720] =	vst v3;
	v3 =	vbroadcast v4, $0x4  }
0x81: {  	[tilespmem:$0x730] =	vst v2;
	v2 =	vbroadcast v4, $0x5  }
0x82: {  	[tilespmem:$0x740] =	vst v3;
	v3 =	vbroadcast v4, $0x6  }
0x83: {  	[tilespmem:$0x750] =	vst v2;
	v2 =	vbroadcast v4, $0x7  }
0x84: {  	[tilespmem:$0x760] =	vst v3;
	v3 =	vbroadcast v4, $0x8  }
0x85: {  	v5 =	vld [tilespmem:$0xF0];
	[tilespmem:$0x770] =	vst v2;
	v2 =	vbroadcast v4, $0x9  }
0x86: {  	[tilespmem:$0x780] =	vst v3;
	v3 =	vbroadcast v4, $0xA  }
0x87: {  	[tilespmem:$0x790] =	vst v2;
	v2 =	vbroadcast v4, $0xB  }
0x88: {  	[tilespmem:$0x7A0] =	vst v3;
	v3 =	vbroadcast v4, $0xC  }
0x89: {  	[tilespmem:$0x7B0] =	vst v2;
	v2 =	vbroadcast v4, $0xD  }
0x8a: {  	v1 =	vmul.f32 v5, v1;
	[tilespmem:$0x7C0] =	vst v3;
	v3 =	vbroadcast v4, $0xE  }
0x8b: {  	[tilespmem:$0x7D0] =	vst v2;
	v2 =	vbroadcast v4, $0xF  }
0x8c: {  	[tilespmem:$0x7E0] =	vst v3;
	v3 =	vbroadcast v1, $0x0  }
0x8d: {  	[tilespmem:$0x7F0] =	vst v2;
	v2 =	vbroadcast v1, $0x1  }
0x8e: {  	[tilespmem:$0x800] =	vst v3;
	v3 =	vbroadcast v1, $0x2  }
0x8f: {  	[tilespmem:$0x810] =	vst v2;
	v2 =	vbroadcast v1, $0x3  }
0x90: {  	[tilespmem:$0x820] =	vst v3;
	v3 =	vbroadcast v1, $0x4  }
0x91: {  	[tilespmem:$0x830] =	vst v2;
	v2 =	vbroadcast v1, $0x5  }
0x92: {  	[tilespmem:$0x840] =	vst v3;
	v3 =	vbroadcast v1, $0x6  }
0x93: {  	[tilespmem:$0x850] =	vst v2;
	v2 =	vbroadcast v1, $0x7  }
0x94: {  	[tilespmem:$0x860] =	vst v3;
	v3 =	vbroadcast v1, $0x8  }
0x95: {  	[tilespmem:$0x870] =	vst v2;
	v2 =	vbroadcast v1, $0x9  }
0x96: {  	[tilespmem:$0x880] =	vst v3;
	v3 =	vbroadcast v1, $0xA  }
0x97: {  	[tilespmem:$0x890] =	vst v2;
	v2 =	vbroadcast v1, $0xB  }
0x98: {  	[tilespmem:$0x8A0] =	vst v3;
	v3 =	vbroadcast v1, $0xC  }
0x99: {  	[tilespmem:$0x8B0] =	vst v2;
	v2 =	vbroadcast v1, $0xD  }
0x9a: {  	[tilespmem:$0x8C0] =	vst v3;
	v3 =	vbroadcast v1, $0xE  }
0x9b: {  	[tilespmem:$0x8D0] =	vst v2;
	v1 =	vbroadcast v1, $0xF  }
0x9c: {  	[tilespmem:$0x8E0] =	vst v3  }
0x9d: {  	[tilespmem:$0x8F0] =	vst v1  }
0x9e: {  	[tilespmem:s16], [sflag:$0x1] =	stream.linear.gather [hbm4b:s9+s3], $0x4000, $0x38;
	[tilespmem:$0x10900] =	vst v63  }
0x9f: {  	_ = 	snop  }
0xa0: {  	[tilespmem:s17], [sflag:$0x5] =	stream.linear.gather [hbm4b:s10+s3], $0x800, $0x38;
	[tilespmem:$0x10900] =	vst v63  }
0xa1: {  	_ =	swait.ge [sflag:s14], $0x800  }
0xa2: {  	[sflag:s14] =	ssyncset.done $0x0  }
0xa3: {  	s0 =	simm.s32 $0x4980;
	[sflag:s14] =	ssyncadd.s32 $0xFFFFF800  }
0xa4: {  	v1 =	vld [tilespmem:s0+$0x70]  }
0xa5: {  	v2 =	vld [tilespmem:s0+$0xFFFFFF90]  }
0xa6: {  	v3 =	vld [tilespmem:s0+$0xFFFFFFA0]  }
0xa7: {  	v0 =	vbroadcast v0, $0x0;
	v4 =	vld [tilespmem:s0+$0xFFFFFFB0]  }
0xa8: {  	v5 =	vld [tilespmem:s0+$0xFFFFFFC0]  }
0xa9: {  	v6 =	vld [tilespmem:s0+$0xFFFFFFD0];
	v1 =	vmul.f32 v1, v0  }
0xaa: {  	s25 =	simm.s32 $0xC980;
	v7 =	vld [tilespmem:s0+$0xFFFFFFE0];
	v2 =	vmul.f32 v2, v0  }
0xab: {  	v8 =	vld [tilespmem:s0+$0xFFFFFFF0];
	v3 =	vmul.f32 v3, v0;
	[tilespmem:s25+$0x70] =	vst v1  }
0xac: {  	[tilespmem:s25+$0xFFFFFF90] =	vst v2;
	v1 =	vmul.f32 v4, v0;
	v4 =	vld [tilespmem:s0+$0x0]  }
0xad: {  	[tilespmem:s25+$0xFFFFFFA0] =	vst v3;
	v2 =	vmul.f32 v5, v0;
	v5 =	vld [tilespmem:s0+$0x10]  }
0xae: {  	v9 =	vld [tilespmem:s0+$0x20];
	v3 =	vmul.f32 v6, v0;
	[tilespmem:s25+$0xFFFFFFB0] =	vst v1  }
0xaf: {  	v6 =	vmul.f32 v7, v0;
	[tilespmem:s25+$0xFFFFFFC0] =	vst v2;
	v1 =	vld [tilespmem:s0+$0x30]  }
0xb0: {  	v7 =	vmul.f32 v8, v0;
	[tilespmem:s25+$0xFFFFFFD0] =	vst v3;
	v2 =	vld [tilespmem:s0+$0x40]  }
0xb1: {  	[tilespmem:s25+$0xFFFFFFE0] =	vst v6;
	v3 =	vld [tilespmem:s0+$0x50];
	v8 =	vmul.f32 v4, v0  }
0xb2: {  	[tilespmem:s25+$0xFFFFFFF0] =	vst v7;
	v4 =	vld [tilespmem:s0+$0x60];
	v6 =	vmul.f32 v5, v0  }
0xb3: {  	s26 =	simm.s32 $0x0;
	s28 =	simm.s32 $0x4A80;
	v7 =	vmul.f32 v9, v0;
	v5 =	vld [tilespmem:s0+$0xFFFFFF80];
	[tilespmem:s25+$0x0] =	vst v8  }
.LBB2_2:
0xb4: {  	v8 =	vld [tilespmem:s28+$0x70];
	s26 =	sadd.s32 $0x100, s26;
	[tilespmem:s25+$0x10] =	vst v6;
	v1 =	vmul.f32 v1, v0  }
0xb5: {  	v6 =	vld [tilespmem:s28+$0xFFFFFF90];
	p0 =	slt.u32 s26, $0x700;
	[tilespmem:s25+$0x20] =	vst v7;
	v2 =	vmul.f32 v2, v0  }
0xb6: {  	v7 =	vld [tilespmem:s28+$0xFFFFFFA0];
	[tilespmem:s25+$0x30] =	vst v1;
	v1 =	vmul.f32 v3, v0  }
0xb7: {  	v3 =	vld [tilespmem:s28+$0xFFFFFFB0];
	[tilespmem:s25+$0x40] =	vst v2;
	v2 =	vmul.f32 v4, v0  }
0xb8: {  	v4 =	vld [tilespmem:s28+$0xFFFFFFC0];
	v5 =	vmul.f32 v5, v0;
	[tilespmem:s25+$0x50] =	vst v1  }
0xb9: {  	v1 =	vld [tilespmem:s28+$0xFFFFFFD0];
	v8 =	vmul.f32 v8, v0;
	[tilespmem:s25+$0x60] =	vst v2  }
0xba: {  	v2 =	vmul.f32 v6, v0;
	v6 =	vld [tilespmem:s28+$0xFFFFFFE0];
	[tilespmem:s25+$0xFFFFFF80] =	vst v5;
	s25 =	sadd.s32 $0x100, s25  }
0xbb: {  	v5 =	vmul.f32 v7, v0;
	v7 =	vld [tilespmem:s28+$0xFFFFFFF0];
	[tilespmem:s25+$0x70] =	vst v8  }
0xbc: {  	[tilespmem:s25+$0xFFFFFF90] =	vst v2;
	v2 =	vmul.f32 v3, v0;
	v3 =	vld [tilespmem:s28+$0x0]  }
0xbd: {  	[tilespmem:s25+$0xFFFFFFA0] =	vst v5;
	v4 =	vmul.f32 v4, v0;
	v5 =	vld [tilespmem:s28+$0x10]  }
0xbe: {  	[tilespmem:s25+$0xFFFFFFB0] =	vst v2;
	v2 =	vmul.f32 v1, v0;
	v8 =	vld [tilespmem:s28+$0x20]  }
.Ltmp0:
0xbf: {  	[tilespmem:s25+$0xFFFFFFC0] =	vst v4;
	v4 =	vmul.f32 v6, v0;
	v1 =	vld [tilespmem:s28+$0x30];
	(pc) =	sbr.rel @p0 .LBB2_2-.Ltmp0, $4  }
0xc0: {  	[tilespmem:s25+$0xFFFFFFD0] =	vst v2;
	v6 =	vmul.f32 v7, v0;
	v2 =	vld [tilespmem:s28+$0x40]  }
0xc1: {  	[tilespmem:s25+$0xFFFFFFE0] =	vst v4;
	v7 =	vmul.f32 v3, v0;
	v3 =	vld [tilespmem:s28+$0x50]  }
0xc2: {  	[tilespmem:s25+$0xFFFFFFF0] =	vst v6;
	v6 =	vmul.f32 v5, v0;
	v4 =	vld [tilespmem:s28+$0x60]  }
0xc3: {  	v5 =	vld [tilespmem:s28+$0xFFFFFF80];
	[tilespmem:s25+$0x0] =	vst v7;
	v7 =	vmul.f32 v8, v0;
	s28 =	sadd.s32 $0x100, s28  }
0xc4: {  	[tilespmem:s25+$0x10] =	vst v6;
	v1 =	vmul.f32 v1, v0  }
0xc5: {  	[tilespmem:s25+$0x20] =	vst v7;
	v2 =	vmul.f32 v2, v0  }
0xc6: {  	[tilespmem:s25+$0x30] =	vst v1;
	v61 =	vmul.f32 v3, v0  }
0xc7: {  	[tilespmem:s25+$0x40] =	vst v2;
	v62 =	vmul.f32 v4, v0  }
0xc8: {  	v63 =	vmul.f32 v5, v0;
	[tilespmem:s25+$0x50] =	vst v61  }
0xc9: {  	[tilespmem:s25+$0x60] =	vst v62  }
0xca: {  	[tilespmem:s25+$0xFFFFFF80] =	vst v63;
	s25 =	simm.s32 $0x0  }
0xcb: {  	[hbm4b:s11+s25] =	stream.linear.scatter [tilespmem:s18], [sflag:$0x5], $0x800, $0x38;
	[tilespmem:$0x10900] =	vst v63  }
0xcc: {  	_ =	swait.ge [sflag:s14], $0x800  }
0xcd: {  	[sflag:s14] =	ssyncset.done $0x0  }
0xce: {  	[sflag:s14] =	ssyncadd.s32 $0xFFFFF800  }
.LBB2_4:
0xcf: {  	s28 =	sshllo.u32 s25, $0x1  }
0xd0: {  	s26 =	sshll.u32 s28, $0xE  }
0xd1: {  	s0 =	sor.u32 s6, s26  }
0xd2: {  	s0 =	sshrl.u32 s0, $0x3  }
0xd3: {  	s0 =	sadd.s32 s5, s0  }
0xd4: {  	[tilespmem:s17], [sflag:$0x2] =	stream.linear.gather [hbm4b:s0+s3], $0x4000, $0x38;
	[tilespmem:$0x10900] =	vst v63  }
0xd5: {  	_ =	swait.ge [sflag:s19], $0x4000  }
0xd6: {  	p0 =	seq.s32 s25, $0x0;
	[sflag:s19] =	ssyncset.done $0x0  }
0xd7: {  	s0 =	simm.s32 @!p0 $0x3;
	[sflag:s19] =	ssyncadd.s32 $0xFFFFC000  }
0xd8: {  	_ =	swait.ge @!p0 [sflag:s0], $0x4000  }
0xd9: {  	s29 =	sshll.u32 s25, $0x6;
	[sflag:s0] =	ssyncset.done @!p0 $0x0  }
0xda: {  	s29 =	sand.u32 $0x3FFFFFC0, s29;
	[sflag:s0] =	ssyncadd.s32 @!p0 $0xFFFFC000  }
0xdb: {  	s0 =	simm.s32 $0x980;
	v0 =	vld [tilespmem:s29+$0x100]  }
0xdc: {  	v1 =	vld [tilespmem:s0+$0x70]  }
0xdd: {  	v2 =	vld [tilespmem:s0+$0xFFFFFF90]  }
0xde: {  	v3 =	vld [tilespmem:s0+$0xFFFFFFA0]  }
0xdf: {  	v4 =	vld [tilespmem:s0+$0xFFFFFFB0]  }
0xe0: {  	v5 =	vld [tilespmem:s0+$0xFFFFFFC0]  }
0xe1: {  	v6 =	vld [tilespmem:s0+$0xFFFFFFD0];
	v1 =	vmul.f32 v1, v0  }
0xe2: {  	s30 =	simm.s32 $0x8980;
	v7 =	vld [tilespmem:s0+$0xFFFFFFE0];
	v2 =	vmul.f32 v2, v0  }
0xe3: {  	v8 =	vld [tilespmem:s0+$0xFFFFFFF0];
	v3 =	vmul.f32 v3, v0;
	[tilespmem:s30+$0x70] =	vst v1  }
0xe4: {  	[tilespmem:s30+$0xFFFFFF90] =	vst v2;
	v1 =	vmul.f32 v4, v0;
	v4 =	vld [tilespmem:s0+$0x0]  }
0xe5: {  	[tilespmem:s30+$0xFFFFFFA0] =	vst v3;
	v2 =	vmul.f32 v5, v0;
	v5 =	vld [tilespmem:s0+$0x10]  }
0xe6: {  	v9 =	vld [tilespmem:s0+$0x20];
	v3 =	vmul.f32 v6, v0;
	[tilespmem:s30+$0xFFFFFFB0] =	vst v1  }
0xe7: {  	v6 =	vmul.f32 v7, v0;
	[tilespmem:s30+$0xFFFFFFC0] =	vst v2;
	v1 =	vld [tilespmem:s0+$0x30]  }
0xe8: {  	v7 =	vmul.f32 v8, v0;
	[tilespmem:s30+$0xFFFFFFD0] =	vst v3;
	v2 =	vld [tilespmem:s0+$0x40]  }
0xe9: {  	[tilespmem:s30+$0xFFFFFFE0] =	vst v6;
	v3 =	vld [tilespmem:s0+$0x50];
	v8 =	vmul.f32 v4, v0  }
0xea: {  	[tilespmem:s30+$0xFFFFFFF0] =	vst v7;
	v4 =	vld [tilespmem:s0+$0x60];
	v6 =	vmul.f32 v5, v0  }
0xeb: {  	s31 =	simm.s32 $0x0;
	v7 =	vmul.f32 v9, v0;
	v5 =	vld [tilespmem:s0+$0xFFFFFF80];
	s0 =	simm.s32 $0xA80;
	[tilespmem:s30+$0x0] =	vst v8  }
.LBB2_5:
0xec: {  	v8 =	vld [tilespmem:s0+$0x70];
	s31 =	sadd.s32 $0x100, s31;
	[tilespmem:s30+$0x10] =	vst v6;
	v1 =	vmul.f32 v1, v0  }
0xed: {  	v6 =	vld [tilespmem:s0+$0xFFFFFF90];
	p1 =	slt.u32 s31, $0x1F00;
	[tilespmem:s30+$0x20] =	vst v7;
	v2 =	vmul.f32 v2, v0  }
0xee: {  	v7 =	vld [tilespmem:s0+$0xFFFFFFA0];
	[tilespmem:s30+$0x30] =	vst v1;
	v1 =	vmul.f32 v3, v0  }
0xef: {  	v3 =	vld [tilespmem:s0+$0xFFFFFFB0];
	[tilespmem:s30+$0x40] =	vst v2;
	v2 =	vmul.f32 v4, v0  }
0xf0: {  	v4 =	vld [tilespmem:s0+$0xFFFFFFC0];
	v5 =	vmul.f32 v5, v0;
	[tilespmem:s30+$0x50] =	vst v1  }
0xf1: {  	v1 =	vld [tilespmem:s0+$0xFFFFFFD0];
	v8 =	vmul.f32 v8, v0;
	[tilespmem:s30+$0x60] =	vst v2  }
0xf2: {  	v2 =	vmul.f32 v6, v0;
	v6 =	vld [tilespmem:s0+$0xFFFFFFE0];
	[tilespmem:s30+$0xFFFFFF80] =	vst v5;
	s30 =	sadd.s32 $0x100, s30  }
0xf3: {  	v5 =	vmul.f32 v7, v0;
	v7 =	vld [tilespmem:s0+$0xFFFFFFF0];
	[tilespmem:s30+$0x70] =	vst v8  }
0xf4: {  	[tilespmem:s30+$0xFFFFFF90] =	vst v2;
	v2 =	vmul.f32 v3, v0;
	v3 =	vld [tilespmem:s0+$0x0]  }
0xf5: {  	[tilespmem:s30+$0xFFFFFFA0] =	vst v5;
	v4 =	vmul.f32 v4, v0;
	v5 =	vld [tilespmem:s0+$0x10]  }
0xf6: {  	[tilespmem:s30+$0xFFFFFFB0] =	vst v2;
	v2 =	vmul.f32 v1, v0;
	v8 =	vld [tilespmem:s0+$0x20]  }
.Ltmp1:
0xf7: {  	[tilespmem:s30+$0xFFFFFFC0] =	vst v4;
	v4 =	vmul.f32 v6, v0;
	v1 =	vld [tilespmem:s0+$0x30];
	(pc) =	sbr.rel @p1 .LBB2_5-.Ltmp1, $4  }
0xf8: {  	[tilespmem:s30+$0xFFFFFFD0] =	vst v2;
	v6 =	vmul.f32 v7, v0;
	v2 =	vld [tilespmem:s0+$0x40]  }
0xf9: {  	[tilespmem:s30+$0xFFFFFFE0] =	vst v4;
	v7 =	vmul.f32 v3, v0;
	v3 =	vld [tilespmem:s0+$0x50]  }
0xfa: {  	[tilespmem:s30+$0xFFFFFFF0] =	vst v6;
	v6 =	vmul.f32 v5, v0;
	v4 =	vld [tilespmem:s0+$0x60]  }
0xfb: {  	v5 =	vld [tilespmem:s0+$0xFFFFFF80];
	[tilespmem:s30+$0x0] =	vst v7;
	v7 =	vmul.f32 v8, v0;
	s0 =	sadd.s32 $0x100, s0  }
0xfc: {  	[tilespmem:s30+$0x10] =	vst v6;
	v1 =	vmul.f32 v1, v0  }
0xfd: {  	[tilespmem:s30+$0x20] =	vst v7;
	v2 =	vmul.f32 v2, v0  }
0xfe: {  	[tilespmem:s30+$0x30] =	vst v1;
	v1 =	vmul.f32 v3, v0  }
0xff: {  	[tilespmem:s30+$0x40] =	vst v2;
	v2 =	vmul.f32 v4, v0  }
0x100: {  	v0 =	vmul.f32 v5, v0;
	[tilespmem:s30+$0x50] =	vst v1  }
0x101: {  	[tilespmem:s30+$0x60] =	vst v2  }
0x102: {  	[tilespmem:s30+$0xFFFFFF80] =	vst v0  }
0x103: {  	s0 =	simm.s32 $0x29F0;
	v0 =	vld [tilespmem:s29+$0x110]  }
0x104: {  	v1 =	vld [tilespmem:s0+$0x0]  }
0x105: {  	v2 =	vld [tilespmem:s0+$0xFFFFFF20]  }
0x106: {  	v3 =	vld [tilespmem:s0+$0xFFFFFF30]  }
0x107: {  	v4 =	vld [tilespmem:s0+$0xFFFFFF40]  }
0x108: {  	v5 =	vld [tilespmem:s0+$0xFFFFFF50]  }
0x109: {  	v6 =	vld [tilespmem:s0+$0xFFFFFF60];
	v1 =	vmul.f32 v1, v0  }
0x10a: {  	s29 =	simm.s32 $0xA9F0;
	v7 =	vld [tilespmem:s0+$0xFFFFFF70];
	v2 =	vmul.f32 v2, v0  }
0x10b: {  	v8 =	vld [tilespmem:s0+$0xFFFFFF80];
	v3 =	vmul.f32 v3, v0;
	[tilespmem:s29+$0x0] =	vst v1  }
0x10c: {  	[tilespmem:s29+$0xFFFFFF20] =	vst v2;
	v1 =	vmul.f32 v4, v0;
	v4 =	vld [tilespmem:s0+$0xFFFFFF90]  }
0x10d: {  	[tilespmem:s29+$0xFFFFFF30] =	vst v3;
	v2 =	vmul.f32 v5, v0;
	v5 =	vld [tilespmem:s0+$0xFFFFFFA0]  }
0x10e: {  	v9 =	vld [tilespmem:s0+$0xFFFFFFB0];
	v3 =	vmul.f32 v6, v0;
	[tilespmem:s29+$0xFFFFFF40] =	vst v1  }
0x10f: {  	v6 =	vmul.f32 v7, v0;
	[tilespmem:s29+$0xFFFFFF50] =	vst v2;
	v1 =	vld [tilespmem:s0+$0xFFFFFFC0]  }
0x110: {  	v7 =	vmul.f32 v8, v0;
	[tilespmem:s29+$0xFFFFFF60] =	vst v3;
	v2 =	vld [tilespmem:s0+$0xFFFFFFD0]  }
0x111: {  	[tilespmem:s29+$0xFFFFFF70] =	vst v6;
	v3 =	vld [tilespmem:s0+$0xFFFFFFE0];
	v8 =	vmul.f32 v4, v0  }
0x112: {  	[tilespmem:s29+$0xFFFFFF80] =	vst v7;
	v4 =	vld [tilespmem:s0+$0xFFFFFFF0];
	v6 =	vmul.f32 v5, v0  }
0x113: {  	s30 =	simm.s32 $0x2000;
	v7 =	vmul.f32 v9, v0;
	v5 =	vld [tilespmem:s0+$0xFFFFFF10];
	s0 =	simm.s32 $0x2AF0;
	[tilespmem:s29+$0xFFFFFF90] =	vst v8  }
.LBB2_7:
0x114: {  	v8 =	vld [tilespmem:s0+$0x0];
	s30 =	sadd.s32 $0x100, s30;
	[tilespmem:s29+$0xFFFFFFA0] =	vst v6;
	v1 =	vmul.f32 v1, v0  }
0x115: {  	v6 =	vld [tilespmem:s0+$0xFFFFFF20];
	p1 =	slt.u32 s30, $0x3F00;
	[tilespmem:s29+$0xFFFFFFB0] =	vst v7;
	v2 =	vmul.f32 v2, v0  }
0x116: {  	v7 =	vld [tilespmem:s0+$0xFFFFFF30];
	[tilespmem:s29+$0xFFFFFFC0] =	vst v1;
	v1 =	vmul.f32 v3, v0  }
0x117: {  	v3 =	vld [tilespmem:s0+$0xFFFFFF40];
	[tilespmem:s29+$0xFFFFFFD0] =	vst v2;
	v2 =	vmul.f32 v4, v0  }
0x118: {  	v4 =	vld [tilespmem:s0+$0xFFFFFF50];
	v5 =	vmul.f32 v5, v0;
	[tilespmem:s29+$0xFFFFFFE0] =	vst v1  }
0x119: {  	v1 =	vld [tilespmem:s0+$0xFFFFFF60];
	v8 =	vmul.f32 v8, v0;
	[tilespmem:s29+$0xFFFFFFF0] =	vst v2  }
0x11a: {  	v2 =	vmul.f32 v6, v0;
	v6 =	vld [tilespmem:s0+$0xFFFFFF70];
	[tilespmem:s29+$0xFFFFFF10] =	vst v5;
	s29 =	sadd.s32 $0x100, s29  }
0x11b: {  	v5 =	vmul.f32 v7, v0;
	v7 =	vld [tilespmem:s0+$0xFFFFFF80];
	[tilespmem:s29+$0x0] =	vst v8  }
0x11c: {  	[tilespmem:s29+$0xFFFFFF20] =	vst v2;
	v2 =	vmul.f32 v3, v0;
	v3 =	vld [tilespmem:s0+$0xFFFFFF90]  }
0x11d: {  	[tilespmem:s29+$0xFFFFFF30] =	vst v5;
	v4 =	vmul.f32 v4, v0;
	v5 =	vld [tilespmem:s0+$0xFFFFFFA0]  }
0x11e: {  	[tilespmem:s29+$0xFFFFFF40] =	vst v2;
	v2 =	vmul.f32 v1, v0;
	v8 =	vld [tilespmem:s0+$0xFFFFFFB0]  }
.Ltmp2:
0x11f: {  	[tilespmem:s29+$0xFFFFFF50] =	vst v4;
	v4 =	vmul.f32 v6, v0;
	v1 =	vld [tilespmem:s0+$0xFFFFFFC0];
	(pc) =	sbr.rel @p1 .LBB2_7-.Ltmp2, $4  }
0x120: {  	[tilespmem:s29+$0xFFFFFF60] =	vst v2;
	v6 =	vmul.f32 v7, v0;
	v2 =	vld [tilespmem:s0+$0xFFFFFFD0]  }
0x121: {  	[tilespmem:s29+$0xFFFFFF70] =	vst v4;
	v7 =	vmul.f32 v3, v0;
	v3 =	vld [tilespmem:s0+$0xFFFFFFE0]  }
0x122: {  	[tilespmem:s29+$0xFFFFFF80] =	vst v6;
	v6 =	vmul.f32 v5, v0;
	v4 =	vld [tilespmem:s0+$0xFFFFFFF0]  }
0x123: {  	v5 =	vld [tilespmem:s0+$0xFFFFFF10];
	[tilespmem:s29+$0xFFFFFF90] =	vst v7;
	v7 =	vmul.f32 v8, v0;
	s0 =	sadd.s32 $0x100, s0  }
0x124: {  	[tilespmem:s29+$0xFFFFFFA0] =	vst v6;
	v1 =	vmul.f32 v1, v0  }
0x125: {  	[tilespmem:s29+$0xFFFFFFB0] =	vst v7;
	v2 =	vmul.f32 v2, v0  }
0x126: {  	p1 =	sne.s32 s25, $0x1F;
	[tilespmem:s29+$0xFFFFFFC0] =	vst v1;
	v61 =	vmul.f32 v3, v0  }
.Ltmp3:
0x127: {  	s0 =	sshll.u32 s25, $0xF;
	[tilespmem:s29+$0xFFFFFFD0] =	vst v2;
	v62 =	vmul.f32 v4, v0;
	(pc) =	sbr.rel @p1 .LBB2_10-.Ltmp3, $4  }
0x128: {  	s30 =	sadd.s32 s7, s0;
	v63 =	vmul.f32 v5, v0;
	[tilespmem:s29+$0xFFFFFFE0] =	vst v61  }
0x129: {  	s30 =	sshrl.u32 s30, $0x3;
	[tilespmem:s29+$0xFFFFFFF0] =	vst v62  }
0x12a: {  	s31 =	sadd.s32 s1, s30;
	[tilespmem:s29+$0xFFFFFF10] =	vst v63  }
0x12b: {  	[hbm4b:s31+s3] =	stream.linear.scatter [tilespmem:s20], [sflag:$0x3], $0x4000, $0x38;
	[tilespmem:$0x10900] =	vst v63  }
.Ltmp4:
0x12c: {  	(pc) =	sbr.rel .LBB2_11-.Ltmp4, $4  }
0x12d: {  	_ = 	snop  }
0x12e: {  	_ =	swait.ge [sflag:s21], $0x4000  }
0x12f: {  	[sflag:s21] =	ssyncset.done $0x0  }
0x130: {  	[sflag:s21] =	ssyncadd.s32 $0xFFFFC000  }
.LBB2_10:
0x131: {  	s0 =	sadd.s32 s0, s12  }
0x132: {  	s0 =	sshrl.u32 s0, $0x3  }
.Ltmp5:
0x133: {  	s0 =	sadd.s32 s5, s0;
	(pc) =	sbr.rel @p0 .LBB2_12-.Ltmp5, $4  }
0x134: {  	[tilespmem:s16], [sflag:$0x1] =	stream.linear.gather [hbm4b:s0+s3], $0x4000, $0x38;
	[tilespmem:$0x10900] =	vst v63  }
0x135: {  	_ =	swait.ge [sflag:s21], $0x4000  }
0x136: {  	[sflag:s21] =	ssyncset.done $0x0  }
0x137: {  	[sflag:s21] =	ssyncadd.s32 $0xFFFFC000  }
.LBB2_11:
0x138: {  	_ =	swait.ge [sflag:s22], $0x4000  }
0x139: {  	[sflag:s22] =	ssyncset.done $0x0  }
0x13a: {  	[sflag:s22] =	ssyncadd.s32 $0xFFFFC000  }
.LBB2_12:
0x13b: {  	s0 =	sshll.u32 s28, $0x5;
	s31 =	simm.s32 $0x4980  }
0x13c: {  	s28 =	sand.u32 $0x3FFFFFE0, s0;
	v1 =	vld [tilespmem:s31+$0x70]  }
0x13d: {  	v0 =	vld [tilespmem:s28+$0x100]  }
0x13e: {  	v2 =	vld [tilespmem:s31+$0xFFFFFF90]  }
0x13f: {  	v3 =	vld [tilespmem:s31+$0xFFFFFFA0]  }
0x140: {  	v4 =	vld [tilespmem:s31+$0xFFFFFFB0]  }
0x141: {  	v5 =	vld [tilespmem:s31+$0xFFFFFFC0]  }
0x142: {  	v6 =	vld [tilespmem:s31+$0xFFFFFFD0];
	v1 =	vmul.f32 v1, v0  }
0x143: {  	s29 =	simm.s32 $0xC980;
	v7 =	vld [tilespmem:s31+$0xFFFFFFE0];
	v2 =	vmul.f32 v2, v0  }
0x144: {  	v8 =	vld [tilespmem:s31+$0xFFFFFFF0];
	v3 =	vmul.f32 v3, v0;
	[tilespmem:s29+$0x70] =	vst v1  }
0x145: {  	[tilespmem:s29+$0xFFFFFF90] =	vst v2;
	v1 =	vmul.f32 v4, v0;
	v4 =	vld [tilespmem:s31+$0x0]  }
0x146: {  	[tilespmem:s29+$0xFFFFFFA0] =	vst v3;
	v2 =	vmul.f32 v5, v0;
	v5 =	vld [tilespmem:s31+$0x10]  }
0x147: {  	v9 =	vld [tilespmem:s31+$0x20];
	v3 =	vmul.f32 v6, v0;
	[tilespmem:s29+$0xFFFFFFB0] =	vst v1  }
0x148: {  	v6 =	vmul.f32 v7, v0;
	[tilespmem:s29+$0xFFFFFFC0] =	vst v2;
	v1 =	vld [tilespmem:s31+$0x30]  }
0x149: {  	v7 =	vmul.f32 v8, v0;
	[tilespmem:s29+$0xFFFFFFD0] =	vst v3;
	v2 =	vld [tilespmem:s31+$0x40]  }
0x14a: {  	[tilespmem:s29+$0xFFFFFFE0] =	vst v6;
	v3 =	vld [tilespmem:s31+$0x50];
	v8 =	vmul.f32 v4, v0  }
0x14b: {  	[tilespmem:s29+$0xFFFFFFF0] =	vst v7;
	v4 =	vld [tilespmem:s31+$0x60];
	v6 =	vmul.f32 v5, v0  }
0x14c: {  	s30 =	simm.s32 $0x0;
	s0 =	simm.s32 $0x4A80;
	v7 =	vmul.f32 v9, v0;
	v5 =	vld [tilespmem:s31+$0xFFFFFF80];
	[tilespmem:s29+$0x0] =	vst v8  }
.LBB2_13:
0x14d: {  	v8 =	vld [tilespmem:s0+$0x70];
	s30 =	sadd.s32 $0x100, s30;
	[tilespmem:s29+$0x10] =	vst v6;
	v1 =	vmul.f32 v1, v0  }
0x14e: {  	v6 =	vld [tilespmem:s0+$0xFFFFFF90];
	p0 =	slt.u32 s30, $0x1F00;
	[tilespmem:s29+$0x20] =	vst v7;
	v2 =	vmul.f32 v2, v0  }
0x14f: {  	v7 =	vld [tilespmem:s0+$0xFFFFFFA0];
	[tilespmem:s29+$0x30] =	vst v1;
	v1 =	vmul.f32 v3, v0  }
0x150: {  	v3 =	vld [tilespmem:s0+$0xFFFFFFB0];
	[tilespmem:s29+$0x40] =	vst v2;
	v2 =	vmul.f32 v4, v0  }
0x151: {  	v4 =	vld [tilespmem:s0+$0xFFFFFFC0];
	v5 =	vmul.f32 v5, v0;
	[tilespmem:s29+$0x50] =	vst v1  }
0x152: {  	v1 =	vld [tilespmem:s0+$0xFFFFFFD0];
	v8 =	vmul.f32 v8, v0;
	[tilespmem:s29+$0x60] =	vst v2  }
0x153: {  	v2 =	vmul.f32 v6, v0;
	v6 =	vld [tilespmem:s0+$0xFFFFFFE0];
	[tilespmem:s29+$0xFFFFFF80] =	vst v5;
	s29 =	sadd.s32 $0x100, s29  }
0x154: {  	v5 =	vmul.f32 v7, v0;
	v7 =	vld [tilespmem:s0+$0xFFFFFFF0];
	[tilespmem:s29+$0x70] =	vst v8  }
0x155: {  	[tilespmem:s29+$0xFFFFFF90] =	vst v2;
	v2 =	vmul.f32 v3, v0;
	v3 =	vld [tilespmem:s0+$0x0]  }
0x156: {  	[tilespmem:s29+$0xFFFFFFA0] =	vst v5;
	v4 =	vmul.f32 v4, v0;
	v5 =	vld [tilespmem:s0+$0x10]  }
0x157: {  	[tilespmem:s29+$0xFFFFFFB0] =	vst v2;
	v2 =	vmul.f32 v1, v0;
	v8 =	vld [tilespmem:s0+$0x20]  }
.Ltmp6:
0x158: {  	[tilespmem:s29+$0xFFFFFFC0] =	vst v4;
	v4 =	vmul.f32 v6, v0;
	v1 =	vld [tilespmem:s0+$0x30];
	(pc) =	sbr.rel @p0 .LBB2_13-.Ltmp6, $4  }
0x159: {  	[tilespmem:s29+$0xFFFFFFD0] =	vst v2;
	v6 =	vmul.f32 v7, v0;
	v2 =	vld [tilespmem:s0+$0x40]  }
0x15a: {  	[tilespmem:s29+$0xFFFFFFE0] =	vst v4;
	v7 =	vmul.f32 v3, v0;
	v3 =	vld [tilespmem:s0+$0x50]  }
0x15b: {  	[tilespmem:s29+$0xFFFFFFF0] =	vst v6;
	v6 =	vmul.f32 v5, v0;
	v4 =	vld [tilespmem:s0+$0x60]  }
0x15c: {  	v5 =	vld [tilespmem:s0+$0xFFFFFF80];
	[tilespmem:s29+$0x0] =	vst v7;
	v7 =	vmul.f32 v8, v0;
	s0 =	sadd.s32 $0x100, s0  }
0x15d: {  	[tilespmem:s29+$0x10] =	vst v6;
	v1 =	vmul.f32 v1, v0  }
0x15e: {  	[tilespmem:s29+$0x20] =	vst v7;
	v2 =	vmul.f32 v2, v0  }
0x15f: {  	[tilespmem:s29+$0x30] =	vst v1;
	v1 =	vmul.f32 v3, v0  }
0x160: {  	[tilespmem:s29+$0x40] =	vst v2;
	v2 =	vmul.f32 v4, v0  }
0x161: {  	v0 =	vmul.f32 v5, v0;
	[tilespmem:s29+$0x50] =	vst v1  }
0x162: {  	[tilespmem:s29+$0x60] =	vst v2  }
0x163: {  	[tilespmem:s29+$0xFFFFFF80] =	vst v0  }
0x164: {  	s0 =	simm.s32 $0x69F0;
	v0 =	vld [tilespmem:s28+$0x110]  }
0x165: {  	v1 =	vld [tilespmem:s0+$0x0]  }
0x166: {  	v2 =	vld [tilespmem:s0+$0xFFFFFF20]  }
0x167: {  	v3 =	vld [tilespmem:s0+$0xFFFFFF30]  }
0x168: {  	v4 =	vld [tilespmem:s0+$0xFFFFFF40]  }
0x169: {  	v5 =	vld [tilespmem:s0+$0xFFFFFF50]  }
0x16a: {  	v6 =	vld [tilespmem:s0+$0xFFFFFF60];
	v1 =	vmul.f32 v1, v0  }
0x16b: {  	s28 =	simm.s32 $0xE9F0;
	v7 =	vld [tilespmem:s0+$0xFFFFFF70];
	v2 =	vmul.f32 v2, v0  }
0x16c: {  	v8 =	vld [tilespmem:s0+$0xFFFFFF80];
	v3 =	vmul.f32 v3, v0;
	[tilespmem:s28+$0x0] =	vst v1  }
0x16d: {  	[tilespmem:s28+$0xFFFFFF20] =	vst v2;
	v1 =	vmul.f32 v4, v0;
	v4 =	vld [tilespmem:s0+$0xFFFFFF90]  }
0x16e: {  	[tilespmem:s28+$0xFFFFFF30] =	vst v3;
	v2 =	vmul.f32 v5, v0;
	v5 =	vld [tilespmem:s0+$0xFFFFFFA0]  }
0x16f: {  	v9 =	vld [tilespmem:s0+$0xFFFFFFB0];
	v3 =	vmul.f32 v6, v0;
	[tilespmem:s28+$0xFFFFFF40] =	vst v1  }
0x170: {  	v6 =	vmul.f32 v7, v0;
	[tilespmem:s28+$0xFFFFFF50] =	vst v2;
	v1 =	vld [tilespmem:s0+$0xFFFFFFC0]  }
0x171: {  	v7 =	vmul.f32 v8, v0;
	[tilespmem:s28+$0xFFFFFF60] =	vst v3;
	v2 =	vld [tilespmem:s0+$0xFFFFFFD0]  }
0x172: {  	[tilespmem:s28+$0xFFFFFF70] =	vst v6;
	v3 =	vld [tilespmem:s0+$0xFFFFFFE0];
	v8 =	vmul.f32 v4, v0  }
0x173: {  	[tilespmem:s28+$0xFFFFFF80] =	vst v7;
	v4 =	vld [tilespmem:s0+$0xFFFFFFF0];
	v6 =	vmul.f32 v5, v0  }
0x174: {  	s29 =	simm.s32 $0x2000;
	v7 =	vmul.f32 v9, v0;
	v5 =	vld [tilespmem:s0+$0xFFFFFF10];
	s0 =	simm.s32 $0x6AF0;
	[tilespmem:s28+$0xFFFFFF90] =	vst v8  }
.LBB2_15:
0x175: {  	v8 =	vld [tilespmem:s0+$0x0];
	s29 =	sadd.s32 $0x100, s29;
	[tilespmem:s28+$0xFFFFFFA0] =	vst v6;
	v1 =	vmul.f32 v1, v0  }
0x176: {  	v6 =	vld [tilespmem:s0+$0xFFFFFF20];
	p0 =	slt.u32 s29, $0x3F00;
	[tilespmem:s28+$0xFFFFFFB0] =	vst v7;
	v2 =	vmul.f32 v2, v0  }
0x177: {  	v7 =	vld [tilespmem:s0+$0xFFFFFF30];
	[tilespmem:s28+$0xFFFFFFC0] =	vst v1;
	v1 =	vmul.f32 v3, v0  }
0x178: {  	v3 =	vld [tilespmem:s0+$0xFFFFFF40];
	[tilespmem:s28+$0xFFFFFFD0] =	vst v2;
	v2 =	vmul.f32 v4, v0  }
0x179: {  	v4 =	vld [tilespmem:s0+$0xFFFFFF50];
	v5 =	vmul.f32 v5, v0;
	[tilespmem:s28+$0xFFFFFFE0] =	vst v1  }
0x17a: {  	v1 =	vld [tilespmem:s0+$0xFFFFFF60];
	v8 =	vmul.f32 v8, v0;
	[tilespmem:s28+$0xFFFFFFF0] =	vst v2  }
0x17b: {  	v2 =	vmul.f32 v6, v0;
	v6 =	vld [tilespmem:s0+$0xFFFFFF70];
	[tilespmem:s28+$0xFFFFFF10] =	vst v5;
	s28 =	sadd.s32 $0x100, s28  }
0x17c: {  	v5 =	vmul.f32 v7, v0;
	v7 =	vld [tilespmem:s0+$0xFFFFFF80];
	[tilespmem:s28+$0x0] =	vst v8  }
0x17d: {  	[tilespmem:s28+$0xFFFFFF20] =	vst v2;
	v2 =	vmul.f32 v3, v0;
	v3 =	vld [tilespmem:s0+$0xFFFFFF90]  }
0x17e: {  	[tilespmem:s28+$0xFFFFFF30] =	vst v5;
	v4 =	vmul.f32 v4, v0;
	v5 =	vld [tilespmem:s0+$0xFFFFFFA0]  }
0x17f: {  	[tilespmem:s28+$0xFFFFFF40] =	vst v2;
	v2 =	vmul.f32 v1, v0;
	v8 =	vld [tilespmem:s0+$0xFFFFFFB0]  }
.Ltmp7:
0x180: {  	[tilespmem:s28+$0xFFFFFF50] =	vst v4;
	v4 =	vmul.f32 v6, v0;
	v1 =	vld [tilespmem:s0+$0xFFFFFFC0];
	(pc) =	sbr.rel @p0 .LBB2_15-.Ltmp7, $4  }
0x181: {  	[tilespmem:s28+$0xFFFFFF60] =	vst v2;
	v6 =	vmul.f32 v7, v0;
	v2 =	vld [tilespmem:s0+$0xFFFFFFD0]  }
0x182: {  	[tilespmem:s28+$0xFFFFFF70] =	vst v4;
	v7 =	vmul.f32 v3, v0;
	v3 =	vld [tilespmem:s0+$0xFFFFFFE0]  }
0x183: {  	[tilespmem:s28+$0xFFFFFF80] =	vst v6;
	v6 =	vmul.f32 v5, v0;
	v4 =	vld [tilespmem:s0+$0xFFFFFFF0]  }
0x184: {  	v5 =	vld [tilespmem:s0+$0xFFFFFF10];
	[tilespmem:s28+$0xFFFFFF90] =	vst v7;
	v7 =	vmul.f32 v8, v0;
	s0 =	sadd.s32 $0x100, s0  }
0x185: {  	[tilespmem:s28+$0xFFFFFFA0] =	vst v6;
	v1 =	vmul.f32 v1, v0  }
0x186: {  	s25 =	sadd.s32 $0x1, s25;
	[tilespmem:s28+$0xFFFFFFB0] =	vst v7;
	v2 =	vmul.f32 v2, v0  }
0x187: {  	p0 =	sne.s32 s25, $0x20;
	[tilespmem:s28+$0xFFFFFFC0] =	vst v1;
	v61 =	vmul.f32 v3, v0  }
.Ltmp8:
0x188: {  	[tilespmem:s28+$0xFFFFFFD0] =	vst v2;
	v62 =	vmul.f32 v4, v0;
	(pc) =	sbr.rel @p0 .LBB2_4-.Ltmp8, $4  }
0x189: {  	s0 =	sadd.s32 s7, s26;
	v63 =	vmul.f32 v5, v0;
	[tilespmem:s28+$0xFFFFFFE0] =	vst v61  }
0x18a: {  	s0 =	sshrl.u32 s0, $0x3;
	[tilespmem:s28+$0xFFFFFFF0] =	vst v62  }
0x18b: {  	s0 =	sadd.s32 s1, s0;
	[tilespmem:s28+$0xFFFFFF10] =	vst v63  }
0x18c: {  	[hbm4b:s0+s3] =	stream.linear.scatter [tilespmem:s18], [sflag:$0x4], $0x4000, $0x38;
	[tilespmem:$0x10900] =	vst v63  }
0x18d: {  	s24 =	sadd.s32 $0x1, s24  }
0x18e: {  	_ =	swait.ge [sflag:s23], $0x4000;
	p0 =	sne.s32 s24, s13  }
.Ltmp9:
0x18f: {  	[sflag:s23] =	ssyncset.done $0x0;
	(pc) =	sbr.rel @p0 .LBB2_1-.Ltmp9, $4  }
0x190: {  	[sflag:s23] =	ssyncadd.s32 $0xFFFFC000  }
0x191: {  	_ =	swait.ge [sflag:s22], $0x4000  }
0x192: {  	[sflag:s22] =	ssyncset.done $0x0  }
0x193: {  	[sflag:s22] =	ssyncadd.s32 $0xFFFFC000  }
0x194: {  	_ =	sfence.sel $0x180000  }
0x195: {  	[bflag:$0x0] =	sbarrier.arrive $0xFFFF  }
0x196: {  	_ =	strace $0x9000004A  }
0x197: {  	[bflag:$0x2] =	sbarrier.arrive $0xFFFF  }
0x198: {  	p0 =	sne.s32 s2, $0x0;
	s0 =	rddreg [dreg:$0x4]  }
0x199: {  	s0 =	sadd.s32 @!p0 $0x100000, s0  }
0x19a: {  	[sflag:s0] =	ssyncadd.tile.s32 @!p0 $0x1;
	_ =	shalt  }
.Lfunc_end2:
_tile_overlayer_lowered:
.L_overlay_start_2:
0x19b: {  	(tag) =	ssettag $0x2  }
0x19c: {  	s0 =	rddreg [dreg:$0x0];
	s2 =	stileid.u32  }
0x19d: {  	s1 =	rddreg [dreg:$0x1];
	p0 =	sne.s32 s2, $0x0  }
0x19e: {  	s3 =	rddreg [dreg:$0x2];
	[bflag:$0x3] =	sbarrier.arrive $0xFFFF;
	s2 =	simm.s32 @!p0 $0x1C05  }
0x19f: {  	[timem:s3], [sflag:s2] =	dma.local @!p0 [hbm:s0], s1  }
0x1a0: {  	s0 =	simm.s32 @!p0 $0x5  }
0x1a1: {  	_ =	swait.ge @!p0 [sflag:s0], s1  }
0x1a2: {  	s1 =	ssub.s32 @!p0 $0x0, s1;
	[sflag:s0] =	ssyncset.done @!p0 $0x0  }
0x1a3: {  	[sflag:s0] =	ssyncadd.s32 @!p0 s1  }
0x1a4: {  	[bflag:$0x3] =	sbarrier.arrive $0xFFFF  }
0x1a5: {  	_ =	shalt  }

// kernel: sparse-core-data-format-call.cloned.1.call-start
scs
called_computation_lowered:
.L_overlay_start_0:
0x0: {  	s2 =	sld [smem:$0x3FD9]  }
0x1: {  	s3 =	sld [smem:$0x3FFE];
	_ =	sdelay $0x1  }
0x2: {  	s1 =	srdreg.scid  }
0x3: {  	s0 =	sand.u32 $0x1, s1  }
0x4: {  	s18 =	sshll.u32 s0, $0xA;
	s2 =	sadd.s32 s3, s2  }
0x5: {  	s2 =	sadd.s32 s2, s18  }
0x6: {  	[smem:$0x3FC4] =	sst s2  }
0x7: {  	_ = 	snop  }
0x8: {  	s2 =	sld [smem:$0x3FC6];
	(tm) =	ssettm $0x1  }
0x9: {  	s19 =	sld [smem:$0x3FFB];
	_ =	sdelay $0x3  }
0xa: {  	_ =	strace s19  }
0xb: {  	s3 =	sld [smem:$0x3FFC];
	_ =	sdelay $0x3  }
0xc: {  	_ =	strace s3  }
0xd: {  	s3 =	sld [smem:$0x3FFD];
	_ =	sdelay $0x3  }
0xe: {  	_ =	strace s3  }
0xf: {  	_ =	strace $0x8FFFFFFF  }
0x10: {  	s20 =	sld [smem:$0x3FDB];
	_ =	sdelay $0x1  }
0x11: {  	s4 =	simm.s32 $_scs_section_size  }
0x12: {  	s5 =	simm.s32 $_size__tile_overlayer_lowered;
	s6 =	simm.s32 $_tile_overlayer_lowered  }
0x13: {  	s23 =	simm.s32 $0x1BFF;
	s22 =	sshll.u32 s6, $0x1;
	s3 =	sadd.s32 s4, s20  }
0x14: {  	s7 =	simm.s32 $0x0;
	s21 =	sshll.u32 s5, $0x1;
	s5 =	sadd.s32 s22, s3  }
0x15: {  	[timem:s7], [sflag:s23] =	dma.local [hbm:s5], s21  }
0x16: {  	_ =	swait.ge [sflag:s23], s21  }
0x17: {  	s4 =	ssub.s32 $0x0, s21;
	[sflag:s23] =	ssyncset.done $0x0  }
0x18: {  	[sflag:s23] =	ssyncadd.s32 s4;
	_ =	sdelay $0x1  }
0x19: {  	s24 =	simm.s32 $0x1B8B  }
0x1a: {  	_ =	swait.ge [sflag:s24], $0x1  }
0x1b: {  	[sflag:s24] =	ssyncset.done $0x0  }
0x1c: {  	s26 =	simm.s32 $0x1B8E;
	s25 =	sld [smem:$0x3FFE];
	[sflag:s24] =	ssyncadd.s32 $0xFFFFFFFF  }
0x1d: {  	s27 =	simm.s32 $execute0_lowered;
	[smem:$0x3FD2] =	sst s26  }
0x1e: {  	s5 =	sshll.u32 s27, $0x1;
	_ =	strace $0x80000046;
	[dreg:$0x1] =	wrdreg $0xFFFFFFFF  }
0x1f: {  	s28 =	simm.s32 $_size_execute0_lowered;
	s3 =	sadd.s32 s3, s5;
	[dreg:$0x0] =	wrdreg $0x0  }
0x20: {  	s5 =	sshll.u32 s28, $0x1;
	[dreg:$0x2] =	wrdreg s3  }
0x21: {  	[dreg:$0x3] =	wrdreg s5  }
0x22: {  	[dreg:$0x4] =	wrdreg $0xC0  }
0x23: {  	_ =	task [dreg:s7], $0x5FFFF  }
0x24: {  	[dreg:$0x1] =	wrdreg $0xFFFFFFFF  }
0x25: {  	[dreg:$0x0] =	wrdreg $0x60  }
0x26: {  	[dreg:$0x2] =	wrdreg s2  }
0x27: {  	[dreg:$0x3] =	wrdreg s25  }
0x28: {  	[dreg:$0x4] =	wrdreg $0x9  }
0x29: {  	_ =	task.clear_ibuf [dreg:s7], $0x5FFFF;
	_ =	strace $0x90000046  }
0x2a: {  	s29 =	simm.s32 $0x9;
	_ =	strace $0x80000048  }
0x2b: {  	_ =	swait.ge [sflag:s29], $0x1  }
0x2c: {  	[sflag:s29] =	ssyncadd.s32 $0xFFFFFFFF  }
0x2d: {  	_ =	strace $0x90000048  }
0x2e: {  	_ =	sfence  }
0x2f: {  	s30 =	sld [smem:$0x0];
	_ =	sdelay $0x2  }
0x30: {  	s31 =	sshll.u32 s1, $0xD;
	s1 =	sshrl.u32 s1, $0x2  }
0x31: {  	s3 =	sand.u32 $0x4000, s31;
	s1 =	sadd.s32 s1, s30  }
0x32: {  	s0 =	sor.u32 s3, s0;
	s1 =	sshll.u32 s1, $0x11  }
0x33: {  	s0 =	sor.u32 s1, s0  }
0x34: {  	s0 =	sadd.s32 $0x8F2B, s0  }
0x35: {  	[sflag:s0] =	ssyncadd.remote.s32 $0x1  }
0x36: {  	_ =	sfence.sel $0xFFFF  }
0x37: {  	[dreg:$0x0] =	wrdreg $0xFFFFFFFF;
	(pc) =	sbr.abs _section_cstart, $3  }
0x38: {  	[dreg:$0x1] =	wrdreg $0xFFFFFFFF  }
0x39: {  	_ =	task.clear_ibuf [dreg:s7], $0x2FFFF;
	_ =	strace $0x9FFFFFFF  }
0x3a: {  	(tm) =	ssettm $0x7FFFFFFF  }
0x3b: {  	_ =	shalt  }
tec
execute0_lowered:
.L_overlay_start_1:
0x0: {  	(tag) =	ssettag $0x1  }
0x1: {  	s2 =	rddreg [dreg:$0x0]  }
0x2: {  	s1 =	rddreg [dreg:$0x1]  }
0x3: {  	s0 =	rddreg [dreg:$0x2];
	_ =	strace $0x80000047;
	s4 =	srdreg.scid  }
0x4: {  	s6 =	simm.s32 $0x2;
	s11 =	simm.s32 $0x0;
	p0 =	por $0x0, $0x0  }
.Ltmp0:
0x5: {  	s7 =	simm.s32 $0x2000;
	s12 =	simm.s32 $0x0;
	(pc) =	sbr.rel .LBB1_1-.Ltmp0, $4  }
0x6: {  	s9 =	simm.s32 $0x0;
	s3 =	sadd.s32 $0xA00, s1;
	s5 =	sshll.u32 s4, $0x4  }
0x7: {  	s1 =	stileid.u32;
	s4 =	simm.s32 $0x1;
	s5 =	sand.u32 $0x10, s5  }
0x8: {  	s8 =	simm.s32 $0x0;
	[sflag:s4] =	ssyncpa.u1 $0x0;
	s5 =	sor.u32 s1, s5  }
0x9: {  	[sflag:s6] =	ssyncpa.u1 $0x0;
	s6 =	simm.s32 $0x800;
	s10 =	smov.u32 s5  }
.LBB1_7:
0xa: {  	s13 =	sadd.s32 $0x10, s9  }
0xb: {  	s11 =	sadd.s32 $0x20, s10;
	s15 =	smov.u32 s10;
	p2 =	sgt.s32 s13, $0x3F  }
0xc: {  	p1 =	slt.u32 s8, $0x2;
	s15 =	smov.u32 @p2 s11  }
0xd: {  	s8 =	sadd.s32 $0x1, s8;
	s13 =	simm.s32 @p2 $0x0;
	p2 =	sgt.s32 s15, $0x1FF  }
0xe: {  	s15 =	smov.u32 @p2 s5;
	p2 =	sne.s32 s8, $0x42  }
.Ltmp1:
0xf: {  	_ = 	snop;
	(pc) =	sbr.rel @!p2 .LBB1_8-.Ltmp1, $4  }
0x10: {  	s14 =	simm.s32 @!p1 $0x2  }
0x11: {  	s12 =	smov.u32 s10;
	_ =	swait.ge @!p1 [sflag:s14], $0x4000  }
0x12: {  	p0 =	por !p0, !p0;
	s11 =	smov.u32 s9;
	[sflag:s14] =	ssyncset.done @!p1 $0x0  }
0x13: {  	s9 =	smov.u32 s13;
	[sflag:s14] =	ssyncadd.s32 @!p1 $0xFFFFC000;
	s10 =	smov.u32 s15  }
.LBB1_1:
0x14: {  	p1 =	sgt.u32 s8, $0x3F  }
0x15: {  	s13 =	sxor.u32 @!p1 $0xFFFFFFFF, s8;
	s14 =	sshll.u32 @!p1 s10, $0xD  }
0x16: {  	s15 =	sshll.u32 @!p1 s9, $0x7;
	s13 =	sshll.u32 @!p1 s13, $0xE;
	s14 =	sadd.s32 @!p1 s2, s14  }
0x17: {  	s13 =	sand.u32 @!p1 $0x4000, s13;
	s14 =	sadd.s32 @!p1 s15, s14;
	s15 =	simm.s32 @!p1 $0x0  }
0x18: {  	[tilespmem:s13], [sflag:$0x1] =	stream.linear.gather @!p1 [hbm4b:s14+s15], $0x4000, $0x38;
	[tilespmem:$0x10000] =	vst v63  }
0x19: {  	p1 =	seq.s32 s8, $0x0  }
0x1a: {  	p2 =	seq.s32 @!p1 s8, $0x41  }
0x1b: {  	p1 =	por p1, p2  }
.Ltmp2:
0x1c: {  	_ = 	snop;
	(pc) =	sbr.rel @p1 .LBB1_7-.Ltmp2, $1  }
0x1d: {  	_ =	sdelay $0x3  }
0x1e: {  	s13 =	simm.s32 $0x1;
	_ =	swait.ge [sflag:s4], $0x4000;
	s16 =	sshll.u32 s8, $0xE  }
0x1f: {  	s13 =	simm.s32 @!p0 $0x0;
	[sflag:s4] =	ssyncset.done $0x0;
	s31 =	sand.u32 $0x4000, s16  }
0x20: {  	s16 =	simm.s32 $0x0;
	s14 =	sshll.u32 s13, $0xE;
	[sflag:s4] =	ssyncadd.s32 $0xFFFFC000  }
0x21: {  	s13 =	sor.u32 $0x8040, s14;
	s15 =	sor.u32 $0x40, s14;
	s14 =	sor.u32 $0x8000, s31  }
.LBB1_3:
0x22: {  	v0 =	vmov s15;
	_ =	sdelay $0x3  }
0x23: {  	s18 =	simm.s32 $0x0  }
0x24: {  	v6 =	vld.idx.msk [tilespmem:v0+s18+$0x30 ss:$0x1], $0xffff  }
0x25: {  	v7 =	vld.idx.msk [tilespmem:v0+s18+$0xFFFFFFC0 ss:$0x1], $0xffff  }
0x26: {  	v5 =	vld.idx.msk [tilespmem:v0+s18+$0xFFFFFFD0 ss:$0x1], $0xffff  }
0x27: {  	v4 =	vld.idx.msk [tilespmem:v0+s18+$0xFFFFFFE0 ss:$0x1], $0xffff  }
0x28: {  	v3 =	vld.idx.msk [tilespmem:v0+s18+$0xFFFFFFF0 ss:$0x1], $0xffff  }
0x29: {  	v1 =	vld.idx.msk [tilespmem:v0+s18+$0x0 ss:$0x1], $0xffff  }
0x2a: {  	v2 =	vld.idx.msk [tilespmem:v0+s18+$0x10 ss:$0x1], $0xffff;
	[tilespmem:s13+$0x30] =	vst v6  }
0x2b: {  	s17 =	simm.s32 $0x80;
	s19 =	simm.s32 $0x400;
	[tilespmem:s13+$0xFFFFFFC0] =	vst v7;
	v6 =	vld.idx.msk [tilespmem:v0+s18+$0x20 ss:$0x1], $0xffff;
	s18 =	smov.u32 s13  }
.LBB1_4:
0x2c: {  	p1 =	sne.s32 s19, $0xE00;
	v7 =	vld.idx.msk [tilespmem:v0+s17+$0x30 ss:$0x1], $0xffff;
	[tilespmem:s18+$0xFFFFFFD0] =	vst v5  }
0x2d: {  	v8 =	vld.idx.msk [tilespmem:v0+s17+$0xFFFFFFC0 ss:$0x1], $0xffff;
	[tilespmem:s18+$0xFFFFFFE0] =	vst v4  }
0x2e: {  	v5 =	vld.idx.msk [tilespmem:v0+s17+$0xFFFFFFD0 ss:$0x1], $0xffff;
	[tilespmem:s18+$0xFFFFFFF0] =	vst v3  }
.Ltmp3:
0x2f: {  	v4 =	vld.idx.msk [tilespmem:v0+s17+$0xFFFFFFE0 ss:$0x1], $0xffff;
	[tilespmem:s18+$0x0] =	vst v1;
	(pc) =	sbr.rel @p1 .LBB1_4-.Ltmp3, $4  }
0x30: {  	v3 =	vld.idx.msk [tilespmem:v0+s17+$0xFFFFFFF0 ss:$0x1], $0xffff;
	[tilespmem:s18+$0x10] =	vst v2  }
0x31: {  	v1 =	vld.idx.msk [tilespmem:v0+s17+$0x0 ss:$0x1], $0xffff;
	[tilespmem:s18+$0x20] =	vst v6;
	s18 =	sadd.s32 $0x800, s18  }
0x32: {  	v2 =	vld.idx.msk [tilespmem:v0+s17+$0x10 ss:$0x1], $0xffff;
	[tilespmem:s18+$0x30] =	vst v7  }
0x33: {  	[tilespmem:s18+$0xFFFFFFC0] =	vst v8;
	v6 =	vld.idx.msk [tilespmem:v0+s17+$0x20 ss:$0x1], $0xffff;
	s17 =	sshra.s32 s19, $0x2;
	s19 =	sadd.s32 $0x200, s19  }
0x34: {  	_ =	sdelay $0x2  }
0x35: {  	[tilespmem:s18+$0xFFFFFFD0] =	vst v5  }
0x36: {  	v56 =	vld.idx.msk [tilespmem:v0+s17+$0x30 ss:$0x1], $0xffff;
	[tilespmem:s18+$0xFFFFFFE0] =	vst v4  }
0x37: {  	v57 =	vld.idx.msk [tilespmem:v0+s17+$0xFFFFFFC0 ss:$0x1], $0xffff;
	[tilespmem:s18+$0xFFFFFFF0] =	vst v3  }
0x38: {  	v58 =	vld.idx.msk [tilespmem:v0+s17+$0xFFFFFFD0 ss:$0x1], $0xffff;
	[tilespmem:s18+$0x0] =	vst v1  }
0x39: {  	v59 =	vld.idx.msk [tilespmem:v0+s17+$0xFFFFFFE0 ss:$0x1], $0xffff;
	[tilespmem:s18+$0x10] =	vst v2  }
0x3a: {  	v60 =	vld.idx.msk [tilespmem:v0+s17+$0xFFFFFFF0 ss:$0x1], $0xffff;
	s31 =	sadd.s32 $0x800, s18;
	[tilespmem:s18+$0x20] =	vst v6  }
0x3b: {  	v61 =	vld.idx.msk [tilespmem:v0+s17+$0x0 ss:$0x1], $0xffff;
	[tilespmem:s31+$0x30] =	vst v56  }
0x3c: {  	v62 =	vld.idx.msk [tilespmem:v0+s17+$0x10 ss:$0x1], $0xffff;
	s16 =	sadd.s32 $0x1, s16;
	[tilespmem:s31+$0xFFFFFFC0] =	vst v57  }
0x3d: {  	v63 =	vld.idx.msk [tilespmem:v0+s17+$0x20 ss:$0x1], $0xffff;
	p1 =	sne.s32 s16, $0x10;
	[tilespmem:s31+$0xFFFFFFD0] =	vst v58  }
.Ltmp4:
0x3e: {  	[tilespmem:s31+$0xFFFFFFE0] =	vst v59;
	(pc) =	sbr.rel @p1 .LBB1_3-.Ltmp4, $4  }
0x3f: {  	[tilespmem:s31+$0xFFFFFFF0] =	vst v60  }
0x40: {  	[tilespmem:s31+$0x0] =	vst v61  }
0x41: {  	[tilespmem:s31+$0x10] =	vst v62  }
0x42: {  	s13 =	sadd.s32 $0x80, s13;
	s15 =	sadd.s32 $0x400, s15;
	[tilespmem:s31+$0x20] =	vst v63  }
.Ltmp5:
0x43: {  	(pc) =	sbr.rel .LBB1_7-.Ltmp5, $4  }
0x44: {  	s12 =	sshll.u32 s12, $0xD;
	s11 =	sshll.u32 s11, $0x4  }
0x45: {  	s11 =	sand.u32 $0x3F0, s11;
	s12 =	sadd.s32 s3, s12  }
0x46: {  	s11 =	sadd.s32 s11, s12  }
0x47: {  	[hbm4b:s11+s6] =	stream.strided.scatter [tilespmem:s14], [sflag:$0x2], $0x4000, s7, s6, $0x38;
	[tilespmem:$0x10000] =	vst v63  }
.LBB1_8:
0x48: {  	_ =	sfence.sel $0x180000  }
0x49: {  	s2 =	simm.s32 $0x1;
	[bflag:$0x0] =	sbarrier.arrive $0xFFFF  }
0x4a: {  	s31 =	simm.s32 $0x2;
	[sflag:s2] =	ssyncpa.u1 $0x1  }
0x4b: {  	[sflag:s31] =	ssyncpa.u1 $0x1  }
0x4c: {  	p0 =	sne.s32 s1, $0x0;
	_ =	strace $0x90000047  }
0x4d: {  	s0 =	sadd.s32 @!p0 $0x100000, s0;
	[bflag:$0x2] =	sbarrier.arrive $0xFFFF  }
0x4e: {  	[sflag:s0] =	ssyncadd.tile.s32 @!p0 $0x1;
	_ =	shalt  }
.Lfunc_end1:
_tile_overlayer_lowered:
.L_overlay_start_2:
0x4f: {  	(tag) =	ssettag $0x2  }
0x50: {  	s0 =	rddreg [dreg:$0x0];
	s2 =	stileid.u32  }
0x51: {  	s1 =	rddreg [dreg:$0x1];
	p0 =	sne.s32 s2, $0x0  }
0x52: {  	s3 =	rddreg [dreg:$0x2];
	[bflag:$0x3] =	sbarrier.arrive $0xFFFF;
	s2 =	simm.s32 @!p0 $0x1C01  }
0x53: {  	[timem:s3], [sflag:s2] =	dma.local @!p0 [hbm:s0], s1  }
0x54: {  	s0 =	simm.s32 @!p0 $0x1  }
0x55: {  	_ =	swait.ge @!p0 [sflag:s0], s1  }
0x56: {  	s1 =	ssub.s32 @!p0 $0x0, s1;
	[sflag:s0] =	ssyncset.done @!p0 $0x0  }
0x57: {  	[sflag:s0] =	ssyncadd.s32 @!p0 s1  }
0x58: {  	[bflag:$0x3] =	sbarrier.arrive $0xFFFF  }
0x59: {  	_ =	shalt  }

</sc_bundles>
